<compile_context>
chip_gen: v7x
topology: tpu7x:2x2x1
jax: 0.10.2.dev20260603
libtpu: 0.0.44.dev20260713+nightly
codegen_flags: <defaults>
</compile_context>

<pallas_src>
import functools
import jax
import jax.numpy as jnp
from jax import lax
from jax.experimental import pallas as pl
from jax.experimental.pallas import tpu as pltpu
from jax.experimental.pallas import tpu_sc as plsc

_N = 4194304
_NC = 2
_NS = 16
_NW = _NC * _NS
_C = _N // _NW
_BLK = 16384
_NBLK = _C // _BLK
_NBUF = 3

_mesh = plsc.VectorSubcoreMesh(core_axis_name="c", subcore_axis_name="s")


@functools.partial(
    pl.kernel,
    mesh=_mesh,
    compiler_params=pltpu.CompilerParams(needs_layout_passes=False),
    out_type=jax.ShapeDtypeStruct((_N,), jnp.float32),
    scratch_types=(
        [pltpu.VMEM((_BLK,), jnp.int32) for _ in range(_NBUF)]
        + [pltpu.VMEM((_BLK,), jnp.float32) for _ in range(_NBUF)]
        + [pltpu.VMEM((15, 1), jnp.float32),
           pltpu.VMEM((1,), jnp.float32),
           pltpu.VMEM((16,), jnp.float32)]
        + [pltpu.SemaphoreType.DMA for _ in range(2 * _NBUF)]
    ),
)
def _lut_kernel(x_hbm, w_hbm, b_hbm, out_hbm, *scratch):
    xb = list(scratch[:_NBUF])
    yb = list(scratch[_NBUF:2 * _NBUF])
    w_v, b_v, tbl_v = scratch[2 * _NBUF:2 * _NBUF + 3]
    in_sems = list(scratch[2 * _NBUF + 3:3 * _NBUF + 3])
    out_sems = list(scratch[3 * _NBUF + 3:])

    pltpu.sync_copy(w_hbm, w_v)
    pltpu.sync_copy(b_hbm, b_v)
    ii = lax.iota(jnp.int32, 16)
    zeros = jnp.zeros((16,), jnp.int32)
    w16 = plsc.load_gather(w_v, [jnp.minimum(ii, 14), zeros])
    b16 = plsc.load_gather(b_v, [zeros])
    tbl_v[...] = jnp.clip(w16 + b16, 0.01, 1.0)

    wid = lax.axis_index("s") * _NC + lax.axis_index("c")
    base = wid * _C

    in_copies = [None] * _NBUF
    out_copies = [None] * _NBUF

    def start_in(i):
        s = i % _NBUF
        off = base + i * _BLK
        in_copies[s] = pltpu.async_copy(
            x_hbm.at[pl.ds(off, _BLK)], xb[s], in_sems[s])

    for i in range(_NBUF - 1):
        start_in(i)

    for i in range(_NBLK):
        s = i % _NBUF
        if i + _NBUF - 1 < _NBLK:
            start_in(i + _NBUF - 1)
        in_copies[s].wait()
        if out_copies[s] is not None:
            out_copies[s].wait()

        x_ref = xb[s]
        y_ref = yb[s]

        @plsc.parallel_loop(0, _BLK, step=16, unroll=8)
        def _(j):
            j16 = pl.multiple_of(j, 16)
            y_ref[pl.ds(j16, 16)] = plsc.load_gather(
                tbl_v, [x_ref[pl.ds(j16, 16)]])

        off = base + i * _BLK
        out_copies[s] = pltpu.async_copy(
            y_ref, out_hbm.at[pl.ds(off, _BLK)], out_sems[s])

    for c in out_copies:
        if c is not None:
            c.wait()


def kernel(x, W, b):
    return _lut_kernel(x, W, b).reshape(_N, 1)

# --- scband reference (transcript-rebuilt; emitter-appended) ---
"""Pipeline reference for scband-model-58239756533991 (READ-ONLY COPY).

The authoritative reference and input builder live on the scoring server;
editing this copy changes nothing except your own understanding.
"""

import jax, jax.numpy as jnp
import numpy as np

N = 4194304
NUM_CATEGORIES = 15

def setup_inputs(seed: int = 0) -> dict:
    key = jax.random.key(seed)
    k1, k2, k3 = jax.random.split(key, 3)
    x = jax.random.randint(k1, (N,), 0, NUM_CATEGORIES, dtype=jnp.int64 if jax.config.jax_enable_x64 else jnp.int32).astype(jnp.int32)
    # Linear(num_categories, 1): kernel [15, 1], bias [1] (flax nnx.Linear default init scale approximated)
    W = jax.random.normal(k2, (NUM_CATEGORIES, 1), dtype=jnp.float32) * (1.0 / np.sqrt(NUM_CATEGORIES))
    b = jnp.zeros((1,), dtype=jnp.float32)
    return {"x": x, "W": W, "b": b}

def reference(x, W, b):
    # one_hot(x, 15) @ W + b  == embedding-style lookup of per-category scalar
    oh = jax.nn.one_hot(x, NUM_CATEGORIES, dtype=jnp.float32)
    y = oh @ W + b  # [N, 1]
    y = jnp.clip(y, 0.01, 1.0)
    return y

if __name__ == "__main__":
    import jax
    _d = setup_inputs()
    print(jax.jit(kernel)(*tuple(_d.values())))

</pallas_src>

<mosaic_0001>
#map = affine_map<(d0, d1) -> (0)>
#map1 = affine_map<(d0, d1) -> (0, 0)>
module attributes {stable_mosaic.version = 14 : i64} {
  func.func @_lut_kernel(%arg0: i32, %arg1: i32, %arg2: memref<4194304xi32, #tpu.memory_space<hbm>>, %arg3: memref<15x1xf32, #tpu.memory_space<hbm>>, %arg4: memref<1xf32, #tpu.memory_space<hbm>>, %arg5: memref<4194304xf32, #tpu.memory_space<hbm>>, %arg6: memref<16384xi32, #tpu.memory_space<vmem>>, %arg7: memref<16384xi32, #tpu.memory_space<vmem>>, %arg8: memref<16384xi32, #tpu.memory_space<vmem>>, %arg9: memref<16384xf32, #tpu.memory_space<vmem>>, %arg10: memref<16384xf32, #tpu.memory_space<vmem>>, %arg11: memref<16384xf32, #tpu.memory_space<vmem>>, %arg12: memref<15x1xf32, #tpu.memory_space<vmem>>, %arg13: memref<1xf32, #tpu.memory_space<vmem>>, %arg14: memref<16xf32, #tpu.memory_space<vmem>>, %arg15: memref<!tpu.dma_semaphore, #tpu.memory_space<semaphore_mem>>, %arg16: memref<!tpu.dma_semaphore, #tpu.memory_space<semaphore_mem>>, %arg17: memref<!tpu.dma_semaphore, #tpu.memory_space<semaphore_mem>>, %arg18: memref<!tpu.dma_semaphore, #tpu.memory_space<semaphore_mem>>, %arg19: memref<!tpu.dma_semaphore, #tpu.memory_space<semaphore_mem>>, %arg20: memref<!tpu.dma_semaphore, #tpu.memory_space<semaphore_mem>>) attributes {dimension_semantics = [#tpu.dimension_semantics<core_parallel>, #tpu.dimension_semantics<subcore_parallel>], iteration_bounds = array<i64: 2, 16>, scalar_prefetch = 0 : i64, scratch_operands = 15 : i64, tpu.core_type = #tpu.core_type<sc_vector_subcore>, window_params = [{transform_indices = #map}, {transform_indices = #map1}, {transform_indices = #map}, {transform_indices = #map}]} {
    "tpu.region"() ({
      %run_scoped3A = tpu.sem_alloc : memref<!tpu.dma_semaphore, #tpu.memory_space<semaphore_mem>>
      tpu.enqueue_dma source(%arg3 : memref<15x1xf32, #tpu.memory_space<hbm>>) target(%arg12 : memref<15x1xf32, #tpu.memory_space<vmem>>) target_semaphore(%run_scoped3A : memref<!tpu.dma_semaphore, #tpu.memory_space<semaphore_mem>>)
      tpu.wait_dma2 semaphore(%run_scoped3A : memref<!tpu.dma_semaphore, #tpu.memory_space<semaphore_mem>>) src(%arg3 : memref<15x1xf32, #tpu.memory_space<hbm>>) dst(%arg12 : memref<15x1xf32, #tpu.memory_space<vmem>>)
      tpu.yield
    }) : () -> ()
    "tpu.region"() ({
      %run_scoped3A = tpu.sem_alloc : memref<!tpu.dma_semaphore, #tpu.memory_space<semaphore_mem>>
      tpu.enqueue_dma source(%arg4 : memref<1xf32, #tpu.memory_space<hbm>>) target(%arg13 : memref<1xf32, #tpu.memory_space<vmem>>) target_semaphore(%run_scoped3A : memref<!tpu.dma_semaphore, #tpu.memory_space<semaphore_mem>>)
      tpu.wait_dma2 semaphore(%run_scoped3A : memref<!tpu.dma_semaphore, #tpu.memory_space<semaphore_mem>>) src(%arg4 : memref<1xf32, #tpu.memory_space<hbm>>) dst(%arg13 : memref<1xf32, #tpu.memory_space<vmem>>)
      tpu.yield
    }) : () -> ()
    %iota3A = tpu.iota {dimensions = array<i32: 0>} : vector<16xi32>
    %broadcast_in_dim3A = arith.constant 0 : i32
    %broadcast_in_dim3A_0 = vector.broadcast %broadcast_in_dim3A : i32 to vector<16xi32>
    %min3A = arith.constant 14 : i32
    %min3A_1 = vector.broadcast %min3A : i32 to vector<16xi32>
    %min3A_2 = arith.minsi %iota3A, %min3A_1 : vector<16xi32>
    %gather3A = tpu.vector_load_idx %arg12[%min3A_2, %broadcast_in_dim3A_0] : memref<15x1xf32, #tpu.memory_space<vmem>>[vector<16xi32>, vector<16xi32>], vector<16xf32>,
    %gather3A_3 = tpu.vector_load_idx %arg13[%broadcast_in_dim3A_0] : memref<1xf32, #tpu.memory_space<vmem>>[vector<16xi32>], vector<16xf32>,
    %add3A = arith.addf %gather3A, %gather3A_3 : vector<16xf32>
    %jit3A = arith.constant 0.00999999977 : f32
    %jit3A_4 = arith.constant 1.000000e+00 : f32
    %max3A = vector.broadcast %jit3A : f32 to vector<16xf32>
    %max3A_5 = arith.maximumf %max3A, %add3A : vector<16xf32>
    %min3A_6 = vector.broadcast %jit3A_4 : f32 to vector<16xf32>
    %min3A_7 = arith.minimumf %min3A_6, %max3A_5 : vector<16xf32>
    %swap3A = arith.constant 0 : index
    %swap3A_8 = tpu.vector_load %arg14[%swap3A] {strides = array<i32>} : memref<16xf32, #tpu.memory_space<vmem>>, vector<16xf32>,
    tpu.vector_store %arg14[%swap3A], %min3A_7 {strides = array<i32>} : memref<16xf32, #tpu.memory_space<vmem>>, vector<16xf32>,
    %mul3A = arith.constant 2 : i32
    %mul3A_9 = arith.muli %arg1, %mul3A : i32
    %add3A_10 = arith.addi %mul3A_9, %arg0 : i32
    %mul3A_11 = arith.constant 131072 : i32
    %mul3A_12 = arith.muli %add3A_10, %mul3A_11 : i32
    %add3A_13 = arith.constant 0 : i32
    %add3A_14 = arith.addi %mul3A_12, %add3A_13 : i32
    %dma_start3A = tpu.memref_slice %arg2[%add3A_14] : memref<4194304xi32, #tpu.memory_space<hbm>> -> memref<16384xi32, #tpu.memory_space<hbm>>
    %dma_start3A_15 = tpu.memref_slice %arg2[%add3A_14] : memref<4194304xi32, #tpu.memory_space<hbm>> -> memref<16384xi32, #tpu.memory_space<hbm>>
    tpu.enqueue_dma source(%dma_start3A_15 : memref<16384xi32, #tpu.memory_space<hbm>>) target(%arg6 : memref<16384xi32, #tpu.memory_space<vmem>>) target_semaphore(%arg15 : memref<!tpu.dma_semaphore, #tpu.memory_space<semaphore_mem>>)
    %add3A_16 = arith.constant 16384 : i32
    %add3A_17 = arith.addi %mul3A_12, %add3A_16 : i32
    %dma_start3A_18 = tpu.memref_slice %arg2[%add3A_17] : memref<4194304xi32, #tpu.memory_space<hbm>> -> memref<16384xi32, #tpu.memory_space<hbm>>
    %dma_start3A_19 = tpu.memref_slice %arg2[%add3A_17] : memref<4194304xi32, #tpu.memory_space<hbm>> -> memref<16384xi32, #tpu.memory_space<hbm>>
    tpu.enqueue_dma source(%dma_start3A_19 : memref<16384xi32, #tpu.memory_space<hbm>>) target(%arg7 : memref<16384xi32, #tpu.memory_space<vmem>>) target_semaphore(%arg16 : memref<!tpu.dma_semaphore, #tpu.memory_space<semaphore_mem>>)
    %add3A_20 = arith.constant 32768 : i32
    %add3A_21 = arith.addi %mul3A_12, %add3A_20 : i32
    %dma_start3A_22 = tpu.memref_slice %arg2[%add3A_21] : memref<4194304xi32, #tpu.memory_space<hbm>> -> memref<16384xi32, #tpu.memory_space<hbm>>
    %dma_start3A_23 = tpu.memref_slice %arg2[%add3A_21] : memref<4194304xi32, #tpu.memory_space<hbm>> -> memref<16384xi32, #tpu.memory_space<hbm>>
    tpu.enqueue_dma source(%dma_start3A_23 : memref<16384xi32, #tpu.memory_space<hbm>>) target(%arg8 : memref<16384xi32, #tpu.memory_space<vmem>>) target_semaphore(%arg17 : memref<!tpu.dma_semaphore, #tpu.memory_space<semaphore_mem>>)
    %dma_wait3A = tpu.memref_slice %arg2[%add3A_14] : memref<4194304xi32, #tpu.memory_space<hbm>> -> memref<16384xi32, #tpu.memory_space<hbm>>
    %dma_wait3A_24 = tpu.memref_slice %arg2[%add3A_14] : memref<4194304xi32, #tpu.memory_space<hbm>> -> memref<16384xi32, #tpu.memory_space<hbm>>
    tpu.wait_dma2 semaphore(%arg15 : memref<!tpu.dma_semaphore, #tpu.memory_space<semaphore_mem>>) src(%dma_wait3A_24 : memref<16384xi32, #tpu.memory_space<hbm>>) dst(%arg6 : memref<16384xi32, #tpu.memory_space<vmem>>)
    %parallel_loop3A = arith.constant 0 : i32
    %parallel_loop3A_25 = arith.constant 16384 : i32
    %parallel_loop3A_26 = arith.constant 16 : i32
    scf.for %parallel_loop3A_130 = %parallel_loop3A to %parallel_loop3A_25 step %parallel_loop3A_26  : i32 {
      %parallel_loop3A_131 = tpu.assume_multiple %parallel_loop3A_130, 16 : i32
      %parallel_loop3A_132 = arith.index_cast %parallel_loop3A_131 : i32 to index
      %parallel_loop3A_133 = tpu.vector_load %arg6[%parallel_loop3A_132] {strides = array<i32>} : memref<16384xi32, #tpu.memory_space<vmem>>, vector<16xi32>,
      %parallel_loop3A_134 = tpu.vector_load_idx %arg14[%parallel_loop3A_133] : memref<16xf32, #tpu.memory_space<vmem>>[vector<16xi32>], vector<16xf32>,
      %parallel_loop3A_135 = arith.index_cast %parallel_loop3A_131 : i32 to index
      %parallel_loop3A_136 = tpu.vector_load %arg9[%parallel_loop3A_135] {strides = array<i32>} : memref<16384xf32, #tpu.memory_space<vmem>>, vector<16xf32>,
      tpu.vector_store %arg9[%parallel_loop3A_135], %parallel_loop3A_134 {strides = array<i32>} : memref<16384xf32, #tpu.memory_space<vmem>>, vector<16xf32>,
    } {sc.loop_unroll_factor = 8 : i64, sc.parallel_access}
    %add3A_27 = arith.constant 0 : i32
    %add3A_28 = arith.addi %mul3A_12, %add3A_27 : i32
    %dma_start3A_29 = tpu.memref_slice %arg5[%add3A_28] : memref<4194304xf32, #tpu.memory_space<hbm>> -> memref<16384xf32, #tpu.memory_space<hbm>>
    %dma_start3A_30 = tpu.memref_slice %arg5[%add3A_28] : memref<4194304xf32, #tpu.memory_space<hbm>> -> memref<16384xf32, #tpu.memory_space<hbm>>
    tpu.enqueue_dma source(%arg9 : memref<16384xf32, #tpu.memory_space<vmem>>) target(%dma_start3A_30 : memref<16384xf32, #tpu.memory_space<hbm>>) target_semaphore(%arg18 : memref<!tpu.dma_semaphore, #tpu.memory_space<semaphore_mem>>)
    %add3A_31 = arith.constant 49152 : i32
    %add3A_32 = arith.addi %mul3A_12, %add3A_31 : i32
    %dma_start3A_33 = tpu.memref_slice %arg2[%add3A_32] : memref<4194304xi32, #tpu.memory_space<hbm>> -> memref<16384xi32, #tpu.memory_space<hbm>>
    %dma_start3A_34 = tpu.memref_slice %arg2[%add3A_32] : memref<4194304xi32, #tpu.memory_space<hbm>> -> memref<16384xi32, #tpu.memory_space<hbm>>
    tpu.enqueue_dma source(%dma_start3A_34 : memref<16384xi32, #tpu.memory_space<hbm>>) target(%arg6 : memref<16384xi32, #tpu.memory_space<vmem>>) target_semaphore(%arg15 : memref<!tpu.dma_semaphore, #tpu.memory_space<semaphore_mem>>)
    %dma_wait3A_35 = tpu.memref_slice %arg2[%add3A_17] : memref<4194304xi32, #tpu.memory_space<hbm>> -> memref<16384xi32, #tpu.memory_space<hbm>>
    %dma_wait3A_36 = tpu.memref_slice %arg2[%add3A_17] : memref<4194304xi32, #tpu.memory_space<hbm>> -> memref<16384xi32, #tpu.memory_space<hbm>>
    tpu.wait_dma2 semaphore(%arg16 : memref<!tpu.dma_semaphore, #tpu.memory_space<semaphore_mem>>) src(%dma_wait3A_36 : memref<16384xi32, #tpu.memory_space<hbm>>) dst(%arg7 : memref<16384xi32, #tpu.memory_space<vmem>>)
    %parallel_loop3A_37 = arith.constant 0 : i32
    %parallel_loop3A_38 = arith.constant 16384 : i32
    %parallel_loop3A_39 = arith.constant 16 : i32
    scf.for %parallel_loop3A_130 = %parallel_loop3A_37 to %parallel_loop3A_38 step %parallel_loop3A_39  : i32 {
      %parallel_loop3A_131 = tpu.assume_multiple %parallel_loop3A_130, 16 : i32
      %parallel_loop3A_132 = arith.index_cast %parallel_loop3A_131 : i32 to index
      %parallel_loop3A_133 = tpu.vector_load %arg7[%parallel_loop3A_132] {strides = array<i32>} : memref<16384xi32, #tpu.memory_space<vmem>>, vector<16xi32>,
      %parallel_loop3A_134 = tpu.vector_load_idx %arg14[%parallel_loop3A_133] : memref<16xf32, #tpu.memory_space<vmem>>[vector<16xi32>], vector<16xf32>,
      %parallel_loop3A_135 = arith.index_cast %parallel_loop3A_131 : i32 to index
      %parallel_loop3A_136 = tpu.vector_load %arg10[%parallel_loop3A_135] {strides = array<i32>} : memref<16384xf32, #tpu.memory_space<vmem>>, vector<16xf32>,
      tpu.vector_store %arg10[%parallel_loop3A_135], %parallel_loop3A_134 {strides = array<i32>} : memref<16384xf32, #tpu.memory_space<vmem>>, vector<16xf32>,
    } {sc.loop_unroll_factor = 8 : i64, sc.parallel_access}
    %add3A_40 = arith.constant 16384 : i32
    %add3A_41 = arith.addi %mul3A_12, %add3A_40 : i32
    %dma_start3A_42 = tpu.memref_slice %arg5[%add3A_41] : memref<4194304xf32, #tpu.memory_space<hbm>> -> memref<16384xf32, #tpu.memory_space<hbm>>
    %dma_start3A_43 = tpu.memref_slice %arg5[%add3A_41] : memref<4194304xf32, #tpu.memory_space<hbm>> -> memref<16384xf32, #tpu.memory_space<hbm>>
    tpu.enqueue_dma source(%arg10 : memref<16384xf32, #tpu.memory_space<vmem>>) target(%dma_start3A_43 : memref<16384xf32, #tpu.memory_space<hbm>>) target_semaphore(%arg19 : memref<!tpu.dma_semaphore, #tpu.memory_space<semaphore_mem>>)
    %add3A_44 = arith.constant 65536 : i32
    %add3A_45 = arith.addi %mul3A_12, %add3A_44 : i32
    %dma_start3A_46 = tpu.memref_slice %arg2[%add3A_45] : memref<4194304xi32, #tpu.memory_space<hbm>> -> memref<16384xi32, #tpu.memory_space<hbm>>
    %dma_start3A_47 = tpu.memref_slice %arg2[%add3A_45] : memref<4194304xi32, #tpu.memory_space<hbm>> -> memref<16384xi32, #tpu.memory_space<hbm>>
    tpu.enqueue_dma source(%dma_start3A_47 : memref<16384xi32, #tpu.memory_space<hbm>>) target(%arg7 : memref<16384xi32, #tpu.memory_space<vmem>>) target_semaphore(%arg16 : memref<!tpu.dma_semaphore, #tpu.memory_space<semaphore_mem>>)
    %dma_wait3A_48 = tpu.memref_slice %arg2[%add3A_21] : memref<4194304xi32, #tpu.memory_space<hbm>> -> memref<16384xi32, #tpu.memory_space<hbm>>
    %dma_wait3A_49 = tpu.memref_slice %arg2[%add3A_21] : memref<4194304xi32, #tpu.memory_space<hbm>> -> memref<16384xi32, #tpu.memory_space<hbm>>
    tpu.wait_dma2 semaphore(%arg17 : memref<!tpu.dma_semaphore, #tpu.memory_space<semaphore_mem>>) src(%dma_wait3A_49 : memref<16384xi32, #tpu.memory_space<hbm>>) dst(%arg8 : memref<16384xi32, #tpu.memory_space<vmem>>)
    %parallel_loop3A_50 = arith.constant 0 : i32
    %parallel_loop3A_51 = arith.constant 16384 : i32
    %parallel_loop3A_52 = arith.constant 16 : i32
    scf.for %parallel_loop3A_130 = %parallel_loop3A_50 to %parallel_loop3A_51 step %parallel_loop3A_52  : i32 {
      %parallel_loop3A_131 = tpu.assume_multiple %parallel_loop3A_130, 16 : i32
      %parallel_loop3A_132 = arith.index_cast %parallel_loop3A_131 : i32 to index
      %parallel_loop3A_133 = tpu.vector_load %arg8[%parallel_loop3A_132] {strides = array<i32>} : memref<16384xi32, #tpu.memory_space<vmem>>, vector<16xi32>,
      %parallel_loop3A_134 = tpu.vector_load_idx %arg14[%parallel_loop3A_133] : memref<16xf32, #tpu.memory_space<vmem>>[vector<16xi32>], vector<16xf32>,
      %parallel_loop3A_135 = arith.index_cast %parallel_loop3A_131 : i32 to index
      %parallel_loop3A_136 = tpu.vector_load %arg11[%parallel_loop3A_135] {strides = array<i32>} : memref<16384xf32, #tpu.memory_space<vmem>>, vector<16xf32>,
      tpu.vector_store %arg11[%parallel_loop3A_135], %parallel_loop3A_134 {strides = array<i32>} : memref<16384xf32, #tpu.memory_space<vmem>>, vector<16xf32>,
    } {sc.loop_unroll_factor = 8 : i64, sc.parallel_access}
    %add3A_53 = arith.constant 32768 : i32
    %add3A_54 = arith.addi %mul3A_12, %add3A_53 : i32
    %dma_start3A_55 = tpu.memref_slice %arg5[%add3A_54] : memref<4194304xf32, #tpu.memory_space<hbm>> -> memref<16384xf32, #tpu.memory_space<hbm>>
    %dma_start3A_56 = tpu.memref_slice %arg5[%add3A_54] : memref<4194304xf32, #tpu.memory_space<hbm>> -> memref<16384xf32, #tpu.memory_space<hbm>>
    tpu.enqueue_dma source(%arg11 : memref<16384xf32, #tpu.memory_space<vmem>>) target(%dma_start3A_56 : memref<16384xf32, #tpu.memory_space<hbm>>) target_semaphore(%arg20 : memref<!tpu.dma_semaphore, #tpu.memory_space<semaphore_mem>>)
    %add3A_57 = arith.constant 81920 : i32
    %add3A_58 = arith.addi %mul3A_12, %add3A_57 : i32
    %dma_start3A_59 = tpu.memref_slice %arg2[%add3A_58] : memref<4194304xi32, #tpu.memory_space<hbm>> -> memref<16384xi32, #tpu.memory_space<hbm>>
    %dma_start3A_60 = tpu.memref_slice %arg2[%add3A_58] : memref<4194304xi32, #tpu.memory_space<hbm>> -> memref<16384xi32, #tpu.memory_space<hbm>>
    tpu.enqueue_dma source(%dma_start3A_60 : memref<16384xi32, #tpu.memory_space<hbm>>) target(%arg8 : memref<16384xi32, #tpu.memory_space<vmem>>) target_semaphore(%arg17 : memref<!tpu.dma_semaphore, #tpu.memory_space<semaphore_mem>>)
    %dma_wait3A_61 = tpu.memref_slice %arg2[%add3A_32] : memref<4194304xi32, #tpu.memory_space<hbm>> -> memref<16384xi32, #tpu.memory_space<hbm>>
    %dma_wait3A_62 = tpu.memref_slice %arg2[%add3A_32] : memref<4194304xi32, #tpu.memory_space<hbm>> -> memref<16384xi32, #tpu.memory_space<hbm>>
    tpu.wait_dma2 semaphore(%arg15 : memref<!tpu.dma_semaphore, #tpu.memory_space<semaphore_mem>>) src(%dma_wait3A_62 : memref<16384xi32, #tpu.memory_space<hbm>>) dst(%arg6 : memref<16384xi32, #tpu.memory_space<vmem>>)
    %dma_wait3A_63 = tpu.memref_slice %arg5[%add3A_28] : memref<4194304xf32, #tpu.memory_space<hbm>> -> memref<16384xf32, #tpu.memory_space<hbm>>
    %dma_wait3A_64 = tpu.memref_slice %arg5[%add3A_28] : memref<4194304xf32, #tpu.memory_space<hbm>> -> memref<16384xf32, #tpu.memory_space<hbm>>
    tpu.wait_dma2 semaphore(%arg18 : memref<!tpu.dma_semaphore, #tpu.memory_space<semaphore_mem>>) src(%arg9 : memref<16384xf32, #tpu.memory_space<vmem>>) dst(%dma_wait3A_64 : memref<16384xf32, #tpu.memory_space<hbm>>)
    %parallel_loop3A_65 = arith.constant 0 : i32
    %parallel_loop3A_66 = arith.constant 16384 : i32
    %parallel_loop3A_67 = arith.constant 16 : i32
    scf.for %parallel_loop3A_130 = %parallel_loop3A_65 to %parallel_loop3A_66 step %parallel_loop3A_67  : i32 {
      %parallel_loop3A_131 = tpu.assume_multiple %parallel_loop3A_130, 16 : i32
      %parallel_loop3A_132 = arith.index_cast %parallel_loop3A_131 : i32 to index
      %parallel_loop3A_133 = tpu.vector_load %arg6[%parallel_loop3A_132] {strides = array<i32>} : memref<16384xi32, #tpu.memory_space<vmem>>, vector<16xi32>,
      %parallel_loop3A_134 = tpu.vector_load_idx %arg14[%parallel_loop3A_133] : memref<16xf32, #tpu.memory_space<vmem>>[vector<16xi32>], vector<16xf32>,
      %parallel_loop3A_135 = arith.index_cast %parallel_loop3A_131 : i32 to index
      %parallel_loop3A_136 = tpu.vector_load %arg9[%parallel_loop3A_135] {strides = array<i32>} : memref<16384xf32, #tpu.memory_space<vmem>>, vector<16xf32>,
      tpu.vector_store %arg9[%parallel_loop3A_135], %parallel_loop3A_134 {strides = array<i32>} : memref<16384xf32, #tpu.memory_space<vmem>>, vector<16xf32>,
    } {sc.loop_unroll_factor = 8 : i64, sc.parallel_access}
    %add3A_68 = arith.constant 49152 : i32
    %add3A_69 = arith.addi %mul3A_12, %add3A_68 : i32
    %dma_start3A_70 = tpu.memref_slice %arg5[%add3A_69] : memref<4194304xf32, #tpu.memory_space<hbm>> -> memref<16384xf32, #tpu.memory_space<hbm>>
    %dma_start3A_71 = tpu.memref_slice %arg5[%add3A_69] : memref<4194304xf32, #tpu.memory_space<hbm>> -> memref<16384xf32, #tpu.memory_space<hbm>>
    tpu.enqueue_dma source(%arg9 : memref<16384xf32, #tpu.memory_space<vmem>>) target(%dma_start3A_71 : memref<16384xf32, #tpu.memory_space<hbm>>) target_semaphore(%arg18 : memref<!tpu.dma_semaphore, #tpu.memory_space<semaphore_mem>>)
    %add3A_72 = arith.constant 98304 : i32
    %add3A_73 = arith.addi %mul3A_12, %add3A_72 : i32
    %dma_start3A_74 = tpu.memref_slice %arg2[%add3A_73] : memref<4194304xi32, #tpu.memory_space<hbm>> -> memref<16384xi32, #tpu.memory_space<hbm>>
    %dma_start3A_75 = tpu.memref_slice %arg2[%add3A_73] : memref<4194304xi32, #tpu.memory_space<hbm>> -> memref<16384xi32, #tpu.memory_space<hbm>>
    tpu.enqueue_dma source(%dma_start3A_75 : memref<16384xi32, #tpu.memory_space<hbm>>) target(%arg6 : memref<16384xi32, #tpu.memory_space<vmem>>) target_semaphore(%arg15 : memref<!tpu.dma_semaphore, #tpu.memory_space<semaphore_mem>>)
    %dma_wait3A_76 = tpu.memref_slice %arg2[%add3A_45] : memref<4194304xi32, #tpu.memory_space<hbm>> -> memref<16384xi32, #tpu.memory_space<hbm>>
    %dma_wait3A_77 = tpu.memref_slice %arg2[%add3A_45] : memref<4194304xi32, #tpu.memory_space<hbm>> -> memref<16384xi32, #tpu.memory_space<hbm>>
    tpu.wait_dma2 semaphore(%arg16 : memref<!tpu.dma_semaphore, #tpu.memory_space<semaphore_mem>>) src(%dma_wait3A_77 : memref<16384xi32, #tpu.memory_space<hbm>>) dst(%arg7 : memref<16384xi32, #tpu.memory_space<vmem>>)
    %dma_wait3A_78 = tpu.memref_slice %arg5[%add3A_41] : memref<4194304xf32, #tpu.memory_space<hbm>> -> memref<16384xf32, #tpu.memory_space<hbm>>
    %dma_wait3A_79 = tpu.memref_slice %arg5[%add3A_41] : memref<4194304xf32, #tpu.memory_space<hbm>> -> memref<16384xf32, #tpu.memory_space<hbm>>
    tpu.wait_dma2 semaphore(%arg19 : memref<!tpu.dma_semaphore, #tpu.memory_space<semaphore_mem>>) src(%arg10 : memref<16384xf32, #tpu.memory_space<vmem>>) dst(%dma_wait3A_79 : memref<16384xf32, #tpu.memory_space<hbm>>)
    %parallel_loop3A_80 = arith.constant 0 : i32
    %parallel_loop3A_81 = arith.constant 16384 : i32
    %parallel_loop3A_82 = arith.constant 16 : i32
    scf.for %parallel_loop3A_130 = %parallel_loop3A_80 to %parallel_loop3A_81 step %parallel_loop3A_82  : i32 {
      %parallel_loop3A_131 = tpu.assume_multiple %parallel_loop3A_130, 16 : i32
      %parallel_loop3A_132 = arith.index_cast %parallel_loop3A_131 : i32 to index
      %parallel_loop3A_133 = tpu.vector_load %arg7[%parallel_loop3A_132] {strides = array<i32>} : memref<16384xi32, #tpu.memory_space<vmem>>, vector<16xi32>,
      %parallel_loop3A_134 = tpu.vector_load_idx %arg14[%parallel_loop3A_133] : memref<16xf32, #tpu.memory_space<vmem>>[vector<16xi32>], vector<16xf32>,
      %parallel_loop3A_135 = arith.index_cast %parallel_loop3A_131 : i32 to index
      %parallel_loop3A_136 = tpu.vector_load %arg10[%parallel_loop3A_135] {strides = array<i32>} : memref<16384xf32, #tpu.memory_space<vmem>>, vector<16xf32>,
      tpu.vector_store %arg10[%parallel_loop3A_135], %parallel_loop3A_134 {strides = array<i32>} : memref<16384xf32, #tpu.memory_space<vmem>>, vector<16xf32>,
    } {sc.loop_unroll_factor = 8 : i64, sc.parallel_access}
    %add3A_83 = arith.constant 65536 : i32
    %add3A_84 = arith.addi %mul3A_12, %add3A_83 : i32
    %dma_start3A_85 = tpu.memref_slice %arg5[%add3A_84] : memref<4194304xf32, #tpu.memory_space<hbm>> -> memref<16384xf32, #tpu.memory_space<hbm>>
    %dma_start3A_86 = tpu.memref_slice %arg5[%add3A_84] : memref<4194304xf32, #tpu.memory_space<hbm>> -> memref<16384xf32, #tpu.memory_space<hbm>>
    tpu.enqueue_dma source(%arg10 : memref<16384xf32, #tpu.memory_space<vmem>>) target(%dma_start3A_86 : memref<16384xf32, #tpu.memory_space<hbm>>) target_semaphore(%arg19 : memref<!tpu.dma_semaphore, #tpu.memory_space<semaphore_mem>>)
    %add3A_87 = arith.constant 114688 : i32
    %add3A_88 = arith.addi %mul3A_12, %add3A_87 : i32
    %dma_start3A_89 = tpu.memref_slice %arg2[%add3A_88] : memref<4194304xi32, #tpu.memory_space<hbm>> -> memref<16384xi32, #tpu.memory_space<hbm>>
    %dma_start3A_90 = tpu.memref_slice %arg2[%add3A_88] : memref<4194304xi32, #tpu.memory_space<hbm>> -> memref<16384xi32, #tpu.memory_space<hbm>>
    tpu.enqueue_dma source(%dma_start3A_90 : memref<16384xi32, #tpu.memory_space<hbm>>) target(%arg7 : memref<16384xi32, #tpu.memory_space<vmem>>) target_semaphore(%arg16 : memref<!tpu.dma_semaphore, #tpu.memory_space<semaphore_mem>>)
    %dma_wait3A_91 = tpu.memref_slice %arg2[%add3A_58] : memref<4194304xi32, #tpu.memory_space<hbm>> -> memref<16384xi32, #tpu.memory_space<hbm>>
    %dma_wait3A_92 = tpu.memref_slice %arg2[%add3A_58] : memref<4194304xi32, #tpu.memory_space<hbm>> -> memref<16384xi32, #tpu.memory_space<hbm>>
    tpu.wait_dma2 semaphore(%arg17 : memref<!tpu.dma_semaphore, #tpu.memory_space<semaphore_mem>>) src(%dma_wait3A_92 : memref<16384xi32, #tpu.memory_space<hbm>>) dst(%arg8 : memref<16384xi32, #tpu.memory_space<vmem>>)
    %dma_wait3A_93 = tpu.memref_slice %arg5[%add3A_54] : memref<4194304xf32, #tpu.memory_space<hbm>> -> memref<16384xf32, #tpu.memory_space<hbm>>
    %dma_wait3A_94 = tpu.memref_slice %arg5[%add3A_54] : memref<4194304xf32, #tpu.memory_space<hbm>> -> memref<16384xf32, #tpu.memory_space<hbm>>
    tpu.wait_dma2 semaphore(%arg20 : memref<!tpu.dma_semaphore, #tpu.memory_space<semaphore_mem>>) src(%arg11 : memref<16384xf32, #tpu.memory_space<vmem>>) dst(%dma_wait3A_94 : memref<16384xf32, #tpu.memory_space<hbm>>)
    %parallel_loop3A_95 = arith.constant 0 : i32
    %parallel_loop3A_96 = arith.constant 16384 : i32
    %parallel_loop3A_97 = arith.constant 16 : i32
    scf.for %parallel_loop3A_130 = %parallel_loop3A_95 to %parallel_loop3A_96 step %parallel_loop3A_97  : i32 {
      %parallel_loop3A_131 = tpu.assume_multiple %parallel_loop3A_130, 16 : i32
      %parallel_loop3A_132 = arith.index_cast %parallel_loop3A_131 : i32 to index
      %parallel_loop3A_133 = tpu.vector_load %arg8[%parallel_loop3A_132] {strides = array<i32>} : memref<16384xi32, #tpu.memory_space<vmem>>, vector<16xi32>,
      %parallel_loop3A_134 = tpu.vector_load_idx %arg14[%parallel_loop3A_133] : memref<16xf32, #tpu.memory_space<vmem>>[vector<16xi32>], vector<16xf32>,
      %parallel_loop3A_135 = arith.index_cast %parallel_loop3A_131 : i32 to index
      %parallel_loop3A_136 = tpu.vector_load %arg11[%parallel_loop3A_135] {strides = array<i32>} : memref<16384xf32, #tpu.memory_space<vmem>>, vector<16xf32>,
      tpu.vector_store %arg11[%parallel_loop3A_135], %parallel_loop3A_134 {strides = array<i32>} : memref<16384xf32, #tpu.memory_space<vmem>>, vector<16xf32>,
    } {sc.loop_unroll_factor = 8 : i64, sc.parallel_access}
    %add3A_98 = arith.constant 81920 : i32
    %add3A_99 = arith.addi %mul3A_12, %add3A_98 : i32
    %dma_start3A_100 = tpu.memref_slice %arg5[%add3A_99] : memref<4194304xf32, #tpu.memory_space<hbm>> -> memref<16384xf32, #tpu.memory_space<hbm>>
    %dma_start3A_101 = tpu.memref_slice %arg5[%add3A_99] : memref<4194304xf32, #tpu.memory_space<hbm>> -> memref<16384xf32, #tpu.memory_space<hbm>>
    tpu.enqueue_dma source(%arg11 : memref<16384xf32, #tpu.memory_space<vmem>>) target(%dma_start3A_101 : memref<16384xf32, #tpu.memory_space<hbm>>) target_semaphore(%arg20 : memref<!tpu.dma_semaphore, #tpu.memory_space<semaphore_mem>>)
    %dma_wait3A_102 = tpu.memref_slice %arg2[%add3A_73] : memref<4194304xi32, #tpu.memory_space<hbm>> -> memref<16384xi32, #tpu.memory_space<hbm>>
    %dma_wait3A_103 = tpu.memref_slice %arg2[%add3A_73] : memref<4194304xi32, #tpu.memory_space<hbm>> -> memref<16384xi32, #tpu.memory_space<hbm>>
    tpu.wait_dma2 semaphore(%arg15 : memref<!tpu.dma_semaphore, #tpu.memory_space<semaphore_mem>>) src(%dma_wait3A_103 : memref<16384xi32, #tpu.memory_space<hbm>>) dst(%arg6 : memref<16384xi32, #tpu.memory_space<vmem>>)
    %dma_wait3A_104 = tpu.memref_slice %arg5[%add3A_69] : memref<4194304xf32, #tpu.memory_space<hbm>> -> memref<16384xf32, #tpu.memory_space<hbm>>
    %dma_wait3A_105 = tpu.memref_slice %arg5[%add3A_69] : memref<4194304xf32, #tpu.memory_space<hbm>> -> memref<16384xf32, #tpu.memory_space<hbm>>
    tpu.wait_dma2 semaphore(%arg18 : memref<!tpu.dma_semaphore, #tpu.memory_space<semaphore_mem>>) src(%arg9 : memref<16384xf32, #tpu.memory_space<vmem>>) dst(%dma_wait3A_105 : memref<16384xf32, #tpu.memory_space<hbm>>)
    %parallel_loop3A_106 = arith.constant 0 : i32
    %parallel_loop3A_107 = arith.constant 16384 : i32
    %parallel_loop3A_108 = arith.constant 16 : i32
    scf.for %parallel_loop3A_130 = %parallel_loop3A_106 to %parallel_loop3A_107 step %parallel_loop3A_108  : i32 {
      %parallel_loop3A_131 = tpu.assume_multiple %parallel_loop3A_130, 16 : i32
      %parallel_loop3A_132 = arith.index_cast %parallel_loop3A_131 : i32 to index
      %parallel_loop3A_133 = tpu.vector_load %arg6[%parallel_loop3A_132] {strides = array<i32>} : memref<16384xi32, #tpu.memory_space<vmem>>, vector<16xi32>,
      %parallel_loop3A_134 = tpu.vector_load_idx %arg14[%parallel_loop3A_133] : memref<16xf32, #tpu.memory_space<vmem>>[vector<16xi32>], vector<16xf32>,
      %parallel_loop3A_135 = arith.index_cast %parallel_loop3A_131 : i32 to index
      %parallel_loop3A_136 = tpu.vector_load %arg9[%parallel_loop3A_135] {strides = array<i32>} : memref<16384xf32, #tpu.memory_space<vmem>>, vector<16xf32>,
      tpu.vector_store %arg9[%parallel_loop3A_135], %parallel_loop3A_134 {strides = array<i32>} : memref<16384xf32, #tpu.memory_space<vmem>>, vector<16xf32>,
    } {sc.loop_unroll_factor = 8 : i64, sc.parallel_access}
    %add3A_109 = arith.constant 98304 : i32
    %add3A_110 = arith.addi %mul3A_12, %add3A_109 : i32
    %dma_start3A_111 = tpu.memref_slice %arg5[%add3A_110] : memref<4194304xf32, #tpu.memory_space<hbm>> -> memref<16384xf32, #tpu.memory_space<hbm>>
    %dma_start3A_112 = tpu.memref_slice %arg5[%add3A_110] : memref<4194304xf32, #tpu.memory_space<hbm>> -> memref<16384xf32, #tpu.memory_space<hbm>>
    tpu.enqueue_dma source(%arg9 : memref<16384xf32, #tpu.memory_space<vmem>>) target(%dma_start3A_112 : memref<16384xf32, #tpu.memory_space<hbm>>) target_semaphore(%arg18 : memref<!tpu.dma_semaphore, #tpu.memory_space<semaphore_mem>>)
    %dma_wait3A_113 = tpu.memref_slice %arg2[%add3A_88] : memref<4194304xi32, #tpu.memory_space<hbm>> -> memref<16384xi32, #tpu.memory_space<hbm>>
    %dma_wait3A_114 = tpu.memref_slice %arg2[%add3A_88] : memref<4194304xi32, #tpu.memory_space<hbm>> -> memref<16384xi32, #tpu.memory_space<hbm>>
    tpu.wait_dma2 semaphore(%arg16 : memref<!tpu.dma_semaphore, #tpu.memory_space<semaphore_mem>>) src(%dma_wait3A_114 : memref<16384xi32, #tpu.memory_space<hbm>>) dst(%arg7 : memref<16384xi32, #tpu.memory_space<vmem>>)
    %dma_wait3A_115 = tpu.memref_slice %arg5[%add3A_84] : memref<4194304xf32, #tpu.memory_space<hbm>> -> memref<16384xf32, #tpu.memory_space<hbm>>
    %dma_wait3A_116 = tpu.memref_slice %arg5[%add3A_84] : memref<4194304xf32, #tpu.memory_space<hbm>> -> memref<16384xf32, #tpu.memory_space<hbm>>
    tpu.wait_dma2 semaphore(%arg19 : memref<!tpu.dma_semaphore, #tpu.memory_space<semaphore_mem>>) src(%arg10 : memref<16384xf32, #tpu.memory_space<vmem>>) dst(%dma_wait3A_116 : memref<16384xf32, #tpu.memory_space<hbm>>)
    %parallel_loop3A_117 = arith.constant 0 : i32
    %parallel_loop3A_118 = arith.constant 16384 : i32
    %parallel_loop3A_119 = arith.constant 16 : i32
    scf.for %parallel_loop3A_130 = %parallel_loop3A_117 to %parallel_loop3A_118 step %parallel_loop3A_119  : i32 {
      %parallel_loop3A_131 = tpu.assume_multiple %parallel_loop3A_130, 16 : i32
      %parallel_loop3A_132 = arith.index_cast %parallel_loop3A_131 : i32 to index
      %parallel_loop3A_133 = tpu.vector_load %arg7[%parallel_loop3A_132] {strides = array<i32>} : memref<16384xi32, #tpu.memory_space<vmem>>, vector<16xi32>,
      %parallel_loop3A_134 = tpu.vector_load_idx %arg14[%parallel_loop3A_133] : memref<16xf32, #tpu.memory_space<vmem>>[vector<16xi32>], vector<16xf32>,
      %parallel_loop3A_135 = arith.index_cast %parallel_loop3A_131 : i32 to index
      %parallel_loop3A_136 = tpu.vector_load %arg10[%parallel_loop3A_135] {strides = array<i32>} : memref<16384xf32, #tpu.memory_space<vmem>>, vector<16xf32>,
      tpu.vector_store %arg10[%parallel_loop3A_135], %parallel_loop3A_134 {strides = array<i32>} : memref<16384xf32, #tpu.memory_space<vmem>>, vector<16xf32>,
    } {sc.loop_unroll_factor = 8 : i64, sc.parallel_access}
    %add3A_120 = arith.constant 114688 : i32
    %add3A_121 = arith.addi %mul3A_12, %add3A_120 : i32
    %dma_start3A_122 = tpu.memref_slice %arg5[%add3A_121] : memref<4194304xf32, #tpu.memory_space<hbm>> -> memref<16384xf32, #tpu.memory_space<hbm>>
    %dma_start3A_123 = tpu.memref_slice %arg5[%add3A_121] : memref<4194304xf32, #tpu.memory_space<hbm>> -> memref<16384xf32, #tpu.memory_space<hbm>>
    tpu.enqueue_dma source(%arg10 : memref<16384xf32, #tpu.memory_space<vmem>>) target(%dma_start3A_123 : memref<16384xf32, #tpu.memory_space<hbm>>) target_semaphore(%arg19 : memref<!tpu.dma_semaphore, #tpu.memory_space<semaphore_mem>>)
    %dma_wait3A_124 = tpu.memref_slice %arg5[%add3A_110] : memref<4194304xf32, #tpu.memory_space<hbm>> -> memref<16384xf32, #tpu.memory_space<hbm>>
    %dma_wait3A_125 = tpu.memref_slice %arg5[%add3A_110] : memref<4194304xf32, #tpu.memory_space<hbm>> -> memref<16384xf32, #tpu.memory_space<hbm>>
    tpu.wait_dma2 semaphore(%arg18 : memref<!tpu.dma_semaphore, #tpu.memory_space<semaphore_mem>>) src(%arg9 : memref<16384xf32, #tpu.memory_space<vmem>>) dst(%dma_wait3A_125 : memref<16384xf32, #tpu.memory_space<hbm>>)
    %dma_wait3A_126 = tpu.memref_slice %arg5[%add3A_121] : memref<4194304xf32, #tpu.memory_space<hbm>> -> memref<16384xf32, #tpu.memory_space<hbm>>
    %dma_wait3A_127 = tpu.memref_slice %arg5[%add3A_121] : memref<4194304xf32, #tpu.memory_space<hbm>> -> memref<16384xf32, #tpu.memory_space<hbm>>
    tpu.wait_dma2 semaphore(%arg19 : memref<!tpu.dma_semaphore, #tpu.memory_space<semaphore_mem>>) src(%arg10 : memref<16384xf32, #tpu.memory_space<vmem>>) dst(%dma_wait3A_127 : memref<16384xf32, #tpu.memory_space<hbm>>)
    %dma_wait3A_128 = tpu.memref_slice %arg5[%add3A_99] : memref<4194304xf32, #tpu.memory_space<hbm>> -> memref<16384xf32, #tpu.memory_space<hbm>>
    %dma_wait3A_129 = tpu.memref_slice %arg5[%add3A_99] : memref<4194304xf32, #tpu.memory_space<hbm>> -> memref<16384xf32, #tpu.memory_space<hbm>>
    tpu.wait_dma2 semaphore(%arg20 : memref<!tpu.dma_semaphore, #tpu.memory_space<semaphore_mem>>) src(%arg11 : memref<16384xf32, #tpu.memory_space<vmem>>) dst(%dma_wait3A_129 : memref<16384xf32, #tpu.memory_space<hbm>>)
    return
  }
}

</mosaic_0001>

<sc_bundles>
// kernel: kernel.3.cloned.1.call-start
scs
__scs_entry_jumppad:
0x0: {  	(pc) =	sbr.rel $0x88, $3  }
0x1: {  	(tag) =	ssettag $0x0;
	lr =	simm.s32 $0x1  }
0x2: {  	[smem:$0x3F9E] =	sst lr;
	_ =	strace $0xD0000000  }
0x3: {  	_ = 	snop  }
0x4: {  	_ = 	snop  }
0x5: {  	_ = 	snop  }
0x6: {  	_ = 	snop  }
0x7: {  	_ = 	snop  }
__scs_overlays_trampoline_lowered:
0x8: {  	[smem:$0x3FAD] =	sst s0  }
0x9: {  	[smem:$0x3FAE] =	sst s1  }
0xa: {  	[smem:$0x3FAF] =	sst s2  }
0xb: {  	[smem:$0x3FB0] =	sst s3  }
0xc: {  	[smem:$0x3FB1] =	sst s4  }
0xd: {  	[smem:$0x3FB2] =	sst s5  }
0xe: {  	[smem:$0x3FB3] =	sst s6  }
0xf: {  	[smem:$0x3FB4] =	sst s7  }
0x10: {  	[smem:$0x3FB5] =	sst s8  }
0x11: {  	[smem:$0x3FB6] =	sst s9;
	s0 =	simm.s32 @!p0 $0x0  }
0x12: {  	s1 =	sld [smem:$0x3F9C];
	s0 =	simm.s32 @p0 $0x1  }
0x13: {  	[smem:$0x3FB7] =	sst s0;
	s0 =	simm.s32 @!p1 $0x0  }
0x14: {  	s2 =	sld [smem:$0x3F9B];
	s0 =	simm.s32 @p1 $0x1  }
0x15: {  	[smem:$0x3FB8] =	sst s0;
	s0 =	simm.s32 @!p2 $0x0  }
0x16: {  	s3 =	sld [smem:$0x3FDB];
	s0 =	simm.s32 @p2 $0x1  }
0x17: {  	s4 =	simm.s32 $0x1BF5;
	[smem:$0x3FBA] =	sst s0  }
0x18: {  	s0 =	sld [smem:$0x3F9D];
	_ =	swait.ge [sflag:s4], $0x0  }
0x19: {  	s7 =	sld [smem:$0x3F9E]  }
0x1a: {  	s8 =	sadd.s32 $0xFFFFE003, lr  }
0x1b: {  	s9 =	sadd.s32 $0xFFFFFEF7, lr;
	s5 =	simm.s32 $0xFFFFFFFF;
	p2 =	slt.u32 s8, $0xFFFFF086  }
0x1c: {  	p1 =	slt.u32 s9, $0xF7A;
	s5 =	simm.s32 @!p2 $0x0  }
0x1d: {  	s5 =	simm.s32 @p1 $0x1;
	p0 =	seq.s32 s7, s2  }
0x1e: {  	s7 =	smul.u32 @!p0 $0xF7A, s2;
	p2 =	seq.s32 @!p0 s5, $0x0  }
0x1f: {  	s9 =	smul.u32 $0xF7A, s1;
	s8 =	simm.s32 @!p0 $0x1BF5;
	p2 =	por !p2, p0  }
0x20: {  	[sflag:s8] =	ssyncset.s32 @!p0 $0xFFFFF086;
	s6 =	sadd.s32 @!p0 s3, s7;
	s7 =	simm.s32 @!p0 $0x108  }
0x21: {  	s3 =	sadd.s32 s3, s9;
	s6 =	sadd.s32 @!p0 $0x88, s6;
	s7 =	simm.s32 @p2 $0x1082  }
0x22: {  	[simem:s7], [sflag:s8] =	dma.local @!p0 [hbm:s6], $0xF7A  }
0x23: {  	s9 =	sor.u32 $0xD0000000, s2;
	s6 =	simm.s32 $0x108;
	_ =	swait.ge @!p0 [sflag:s8], $0x0  }
0x24: {  	s3 =	sadd.s32 $0x88, s3;
	s6 =	simm.s32 @!p1 $0x1082;
	[sflag:s4] =	ssyncset.s32 $0xFFFFF086  }
0x25: {  	[simem:s6], [sflag:s4] =	dma.local [hbm:s3], $0xF7A  }
0x26: {  	[smem:$0x3F9E] =	sst s1;
	(tag) =	ssettag s2;
	_ =	strace s9  }
0x27: {  	s1 =	sld [smem:$0x3FAE]  }
0x28: {  	s2 =	sld [smem:$0x3FAF]  }
0x29: {  	s4 =	sld [smem:$0x3FB1]  }
0x2a: {  	p0 =	seq.s32 s5, $0x0;
	s5 =	sld [smem:$0x3FB2]  }
0x2b: {  	s6 =	sld [smem:$0x3FB3]  }
0x2c: {  	s7 =	sld [smem:$0x3FB4]  }
0x2d: {  	s3 =	simm.s32 $0x108;
	s8 =	sld [smem:$0x3FB5]  }
0x2e: {  	s3 =	simm.s32 @!p0 $0x1082;
	s9 =	sld [smem:$0x3FB6]  }
0x2f: {  	lr =	sadd.s32 s0, s3;
	s0 =	sld [smem:$0x3FAD]  }
0x30: {  	s3 =	sld [smem:$0x3FB0]  }
0x31: {  	[smem:$0x3FB9] =	sst s10  }
0x32: {  	s10 =	sld [smem:$0x3FB7];
	_ =	sdelay $0x3  }
0x33: {  	p0 =	seq.s32 s10, $0x1;
	s10 =	sld [smem:$0x3FB9];
	_ =	sdelay $0x3  }
0x34: {  	[smem:$0x3FB9] =	sst s10  }
0x35: {  	s10 =	sld [smem:$0x3FB8];
	_ =	sdelay $0x3  }
0x36: {  	p1 =	seq.s32 s10, $0x1;
	s10 =	sld [smem:$0x3FB9];
	_ =	sdelay $0x3  }
0x37: {  	[smem:$0x3FB9] =	sst s10  }
0x38: {  	s10 =	sld [smem:$0x3FBA]  }
0x39: {  	_ = 	snop;
	(pc) =	sbr.ind lr, $3  }
0x3a: {  	_ = 	snop  }
0x3b: {  	_ = 	snop  }
0x3c: {  	p2 =	seq.s32 s10, $0x1;
	s10 =	sld [smem:$0x3FB9]  }
0x3d: {  	_ =	shalt  }
0x3e: {  	_ =	shalt  }
0x3f: {  	_ =	shalt  }
0x40: {  	_ =	shalt  }
0x41: {  	_ =	shalt  }
0x42: {  	_ =	shalt  }
0x43: {  	_ =	shalt  }
0x44: {  	_ =	shalt  }
0x45: {  	_ =	shalt  }
0x46: {  	_ =	shalt  }
0x47: {  	_ =	shalt  }
0x48: {  	_ =	shalt  }
0x49: {  	_ =	shalt  }
0x4a: {  	_ =	shalt  }
0x4b: {  	_ =	shalt  }
0x4c: {  	_ =	shalt  }
0x4d: {  	_ =	shalt  }
0x4e: {  	_ =	shalt  }
0x4f: {  	_ =	shalt  }
0x50: {  	_ =	shalt  }
0x51: {  	_ =	shalt  }
0x52: {  	_ =	shalt  }
0x53: {  	_ =	shalt  }
0x54: {  	_ =	shalt  }
0x55: {  	_ =	shalt  }
0x56: {  	_ =	shalt  }
0x57: {  	_ =	shalt  }
0x58: {  	_ =	shalt  }
0x59: {  	_ =	shalt  }
0x5a: {  	_ =	shalt  }
0x5b: {  	_ =	shalt  }
0x5c: {  	_ =	shalt  }
0x5d: {  	_ =	shalt  }
0x5e: {  	_ =	shalt  }
0x5f: {  	_ =	shalt  }
0x60: {  	_ =	shalt  }
0x61: {  	_ =	shalt  }
0x62: {  	_ =	shalt  }
0x63: {  	_ =	shalt  }
0x64: {  	_ =	shalt  }
0x65: {  	_ =	shalt  }
0x66: {  	_ =	shalt  }
0x67: {  	_ =	shalt  }
0x68: {  	_ =	shalt  }
0x69: {  	_ =	shalt  }
0x6a: {  	_ =	shalt  }
0x6b: {  	_ =	shalt  }
0x6c: {  	_ =	shalt  }
0x6d: {  	_ =	shalt  }
0x6e: {  	_ =	shalt  }
0x6f: {  	_ =	shalt  }
0x70: {  	_ =	shalt  }
0x71: {  	_ =	shalt  }
0x72: {  	_ =	shalt  }
0x73: {  	_ =	shalt  }
0x74: {  	_ =	shalt  }
0x75: {  	_ =	shalt  }
0x76: {  	_ =	shalt  }
0x77: {  	_ =	shalt  }
0x78: {  	_ =	shalt  }
0x79: {  	_ =	shalt  }
0x7a: {  	_ =	shalt  }
0x7b: {  	_ =	shalt  }
0x7c: {  	_ =	shalt  }
0x7d: {  	_ =	shalt  }
0x7e: {  	_ =	shalt  }
0x7f: {  	_ =	shalt  }
0x80: {  	_ =	shalt  }
0x81: {  	_ =	shalt  }
0x82: {  	_ =	shalt  }
0x83: {  	_ =	shalt  }
0x84: {  	_ =	shalt  }
0x85: {  	_ =	shalt  }
0x86: {  	_ =	shalt  }
0x87: {  	_ =	shalt  }
.Lfunc_end0:
.L_simem_size_0:
called_computation_lowered:
.L_overlay_start_0:
0x88: {  	s2 =	sld [smem:$0x3FD9]  }
0x89: {  	s3 =	sld [smem:$0x3FFE];
	_ =	sdelay $0x1  }
0x8a: {  	s1 =	srdreg.scid  }
0x8b: {  	s0 =	sand.u32 $0x1, s1  }
0x8c: {  	s17 =	sshll.u32 s0, $0xA;
	s2 =	sadd.s32 s3, s2  }
0x8d: {  	s2 =	sadd.s32 s2, s17  }
0x8e: {  	[smem:$0x3FC5] =	sst s2  }
0x8f: {  	_ = 	snop  }
0x90: {  	s2 =	sld [smem:$0x3FC9]  }
0x91: {  	s18 =	sld [smem:$0x3FC7]  }
0x92: {  	s4 =	sld [smem:$0x3FD0];
	(tm) =	ssettm $0x1  }
0x93: {  	s5 =	sld [smem:$0x3FFB];
	_ =	sdelay $0x3  }
0x94: {  	_ =	strace s5  }
0x95: {  	s5 =	sld [smem:$0x3FFC];
	_ =	sdelay $0x3  }
0x96: {  	_ =	strace s5  }
0x97: {  	s5 =	sld [smem:$0x3FFD];
	_ =	sdelay $0x3  }
0x98: {  	_ =	strace s5  }
0x99: {  	_ =	strace $0x8FFFFFFF  }
0x9a: {  	s19 =	sld [smem:$0x3FDB];
	_ =	sdelay $0x1  }
0x9b: {  	s6 =	simm.s32 $_scs_section_size  }
0x9c: {  	s7 =	simm.s32 $_size__tile_overlayer_lowered;
	s8 =	simm.s32 $_tile_overlayer_lowered  }
0x9d: {  	s22 =	simm.s32 $0x1BFF;
	s21 =	sshll.u32 s8, $0x1;
	s5 =	sadd.s32 s6, s19  }
0x9e: {  	s9 =	simm.s32 $0x0;
	s20 =	sshll.u32 s7, $0x1;
	s7 =	sadd.s32 s21, s5  }
0x9f: {  	[timem:s9], [sflag:s22] =	dma.local [hbm:s7], s20  }
0xa0: {  	_ =	swait.ge [sflag:s22], s20  }
0xa1: {  	s6 =	ssub.s32 $0x0, s20;
	[sflag:s22] =	ssyncset.done $0x0  }
0xa2: {  	[sflag:s22] =	ssyncadd.s32 s6;
	_ =	sdelay $0x1  }
0xa3: {  	s23 =	simm.s32 $0x1B8B  }
0xa4: {  	_ =	swait.ge [sflag:s23], $0x1  }
0xa5: {  	[sflag:s23] =	ssyncset.done $0x0  }
0xa6: {  	s25 =	simm.s32 $0x1B8E;
	s24 =	sld [smem:$0x3FFE];
	[sflag:s23] =	ssyncadd.s32 $0xFFFFFFFF  }
0xa7: {  	s26 =	simm.s32 $execute0_lowered;
	[smem:$0x3FD2] =	sst s25  }
0xa8: {  	s7 =	sshll.u32 s26, $0x1;
	_ =	strace $0x80000046;
	[dreg:$0x1] =	wrdreg $0xFFFFFFFF  }
0xa9: {  	s28 =	simm.s32 $_size_execute0_lowered;
	s5 =	sadd.s32 s5, s7;
	[dreg:$0x0] =	wrdreg $0x0  }
0xaa: {  	s7 =	sshll.u32 s28, $0x1;
	[dreg:$0x2] =	wrdreg s5  }
0xab: {  	[dreg:$0x3] =	wrdreg s7  }
0xac: {  	[dreg:$0x4] =	wrdreg $0xC0  }
0xad: {  	_ =	task [dreg:s9], $0x5FFFF  }
0xae: {  	[dreg:$0x1] =	wrdreg $0xFFFFFFFF  }
0xaf: {  	[dreg:$0x0] =	wrdreg $0x60  }
0xb0: {  	[dreg:$0x2] =	wrdreg s2  }
0xb1: {  	[dreg:$0x3] =	wrdreg s24  }
0xb2: {  	[dreg:$0x4] =	wrdreg s18  }
0xb3: {  	[dreg:$0x5] =	wrdreg s4  }
0xb4: {  	[dreg:$0x6] =	wrdreg $0x9  }
0xb5: {  	_ =	task.clear_ibuf [dreg:s9], $0x7FFFF;
	_ =	strace $0x90000046  }
0xb6: {  	s29 =	simm.s32 $0x9;
	_ =	strace $0x80000048  }
0xb7: {  	_ =	swait.ge [sflag:s29], $0x1  }
0xb8: {  	[sflag:s29] =	ssyncadd.s32 $0xFFFFFFFF  }
0xb9: {  	_ =	strace $0x90000048  }
0xba: {  	_ =	sfence  }
0xbb: {  	s30 =	sld [smem:$0x0];
	_ =	sdelay $0x2  }
0xbc: {  	s31 =	sshll.u32 s1, $0xD;
	s1 =	sshrl.u32 s1, $0x2  }
0xbd: {  	s3 =	sand.u32 $0x4000, s31;
	s1 =	sadd.s32 s1, s30  }
0xbe: {  	s0 =	sor.u32 s3, s0;
	s1 =	sshll.u32 s1, $0x11  }
0xbf: {  	s0 =	sor.u32 s1, s0  }
0xc0: {  	s0 =	sadd.s32 $0x8F2B, s0  }
0xc1: {  	[sflag:s0] =	ssyncadd.remote.s32 $0x1  }
0xc2: {  	_ =	sfence.sel $0xFFFF  }
0xc3: {  	[dreg:$0x0] =	wrdreg $0xFFFFFFFF;
	(pc) =	sbr.abs _section_cstart, $3  }
0xc4: {  	[dreg:$0x1] =	wrdreg $0xFFFFFFFF  }
0xc5: {  	_ =	task.clear_ibuf [dreg:s9], $0x2FFFF;
	_ =	strace $0x9FFFFFFF  }
0xc6: {  	(tm) =	ssettm $0x7FFFFFFF  }
0xc7: {  	_ =	shalt  }
tec
execute0_lowered:
.L_overlay_start_1:
0x0: {  	(tag) =	ssettag $0x1  }
0x1: {  	s0 =	rddreg [dreg:$0x0]  }
0x2: {  	s1 =	rddreg [dreg:$0x1]  }
0x3: {  	s2 =	rddreg [dreg:$0x3]  }
0x4: {  	s3 =	simm.s32 $0x0;
	s4 =	srdreg.scid;
	s6 =	stileid.u32  }
0x5: {  	s28 =	simm.s32 $0x1;
	s29 =	simm.s32 $0x18880;
	s30 =	simm.s32 $0xC000  }
0x6: {  	s31 =	simm.s32 $0x2;
	[smem:$0x7FF] =	sst s3;
	s4 =	sand.u32 $0x1, s4  }
0x7: {  	s6 =	sshll.u32 s6, $0xF;
	s1 =	sadd.s32 $0x400, s1;
	s5 =	ssub.s32 $0x2, s4  }
0x8: {  	s4 =	sshll.u32 s4, $0xE;
	_ =	strace $0x80000047;
	[dreg:$0x5] =	wrdreg s1  }
0x9: {  	v0 =	vimm.s32 $0x700;
	vm0 =	vcmask $0x300;
	s1 =	simm.s32 $0x14000;
	s7 =	sshrl.u32 s5, $0x1;
	s4 =	sor.u32 s4, s6  }
0xa: {  	vm15 =	vcmask $0x704;
	v0 =	vsel vm0, $0x0, v0;
	s10 =	ssub.s32 s5, s7;
	s18 =	sor.u32 $0x800, s4;
	s6 =	sadd.s32 s0, s4  }
0xb: {  	vm4 =	vcmask $0xB08;
	v0 =	vsel vm15, $0x80, v0;
	s20 =	sor.u32 $0x1000, s4;
	s22 =	sadd.s32 s2, s4;
	s23 =	sor.u32 $0x1800, s4  }
0xc: {  	vm5 =	vcmask $0xF0C;
	v0 =	vsel vm4, $0x100, v0;
	s24 =	sor.u32 $0x2000, s4;
	s25 =	sor.u32 $0x2800, s4;
	s26 =	sor.u32 $0x3000, s4  }
0xd: {  	vm6 =	vcmask $0x1310;
	v0 =	vsel vm5, $0x180, v0;
	s4 =	sor.u32 $0x3800, s4;
	s7 =	simm.s32 $0x0;
	[dreg:$0x6] =	wrdreg s6  }
0xe: {  	vm7 =	vcmask $0x1714;
	s19 =	sadd.s32 s0, s18;
	s21 =	sadd.s32 s0, s20;
	[dreg:$0x9] =	wrdreg s22;
	v0 =	vsel vm6, $0x200, v0  }
0xf: {  	vm8 =	vcmask $0x1B18;
	s8 =	sadd.s32 s0, s23;
	s5 =	sadd.s32 s2, s18;
	s11 =	sadd.s32 s0, s24;
	v0 =	vsel vm7, $0x280, v0  }
0x10: {  	vm9 =	vcmask $0x1F1C;
	s12 =	sadd.s32 s2, s20;
	s13 =	sadd.s32 s0, s25;
	s14 =	sadd.s32 s2, s23;
	v0 =	vsel vm8, $0x300, v0  }
0x11: {  	vm10 =	vcmask $0x2320;
	s15 =	sadd.s32 s0, s26;
	s16 =	sadd.s32 s2, s24;
	s17 =	sadd.s32 s0, s4;
	v0 =	vsel vm9, $0x380, v0  }
0x12: {  	vm11 =	vcmask $0x2724;
	s18 =	sadd.s32 s2, s25;
	s20 =	sadd.s32 s2, s4;
	s22 =	simm.s32 $0x18000;
	v0 =	vsel vm10, $0x400, v0  }
0x13: {  	vm12 =	vcmask $0x2B28;
	s23 =	simm.s32 $0x7;
	s24 =	simm.s32 $0x18800;
	[dreg:$0x7] =	wrdreg s19;
	v0 =	vsel vm11, $0x480, v0  }
0x14: {  	vm13 =	vcmask $0x2F2C;
	s25 =	simm.s32 $0x4000;
	s0 =	simm.s32 $0x10000;
	[dreg:$0x8] =	wrdreg s21;
	v0 =	vsel vm12, $0x500, v0  }
0x15: {  	vm14 =	vcmask $0x3330;
	s4 =	simm.s32 $0x4;
	s6 =	simm.s32 $0x6;
	[dreg:$0xa] =	wrdreg s8;
	v0 =	vsel vm13, $0x580, v0  }
0x16: {  	vm15 =	vcmask $0x3734;
	[dreg:$0xb] =	wrdreg s5;
	s19 =	sadd.s32 s2, s26;
	s21 =	smax.u32 s10, $0x1;
	v0 =	vsel vm14, $0x600, v0  }
0x17: {  	s26 =	simm.s32 $0x8000;
	s2 =	simm.s32 $0x3;
	s5 =	simm.s32 $0x5;
	v0 =	vsel vm15, $0x680, v0  }
.LBB2_1:
0x18: {  	s8 =	rddreg [dreg:$0x5]  }
0x19: {  	[tilespmem:s22], [sflag:$0x7] =	stream.linear.gather [hbm4b:s8+s3], $0x780, $0x38;
	[tilespmem:$0x18900] =	vst v63  }
0x1a: {  	_ =	swait.ge [sflag:s23], $0x780  }
0x1b: {  	[sflag:s23] =	ssyncset.done $0x0  }
0x1c: {  	[sflag:s23] =	ssyncadd.s32 $0xFFFFF880  }
0x1d: {  	s10 =	rddreg [dreg:$0x2]  }
0x1e: {  	[tilespmem:s24], [sflag:$0x7] =	stream.linear.gather [hbm4b:s10+s3], $0x80, $0x38;
	[tilespmem:$0x18900] =	vst v63  }
0x1f: {  	_ =	swait.ge [sflag:s23], $0x80  }
0x20: {  	[sflag:s23] =	ssyncset.done $0x0  }
0x21: {  	[sflag:s23] =	ssyncadd.s32 $0xFFFFFF80  }
0x22: {  	v1 =	vld.idx.msk [tilespmem:v0+s22+$0x0], $0xffff  }
0x23: {  	v2 =	vld.msk [tilespmem:s24+$0x0], $0xffff;
	_ =	sdelay $0x4  }
0x24: {  	v1 =	vadd.f32 v2, v1;
	_ =	sdelay $0x1  }
0x25: {  	v1 =	vmax.f32 v1, $9.999999770e-03  }
0x26: {  	v1 =	vmin.f32 v1, $1.000000000e+00  }
0x27: {  	s9 =	rddreg [dreg:$0x6];
	[tilespmem:$0x18880] =	vst v1  }
0x28: {  	[tilespmem:s3], [sflag:$0x1] =	stream.linear.gather [hbm4b:s9+s3], $0x4000, $0x38;
	[tilespmem:$0x18900] =	vst v63  }
0x29: {  	s10 =	rddreg [dreg:$0x7]  }
0x2a: {  	[tilespmem:s25], [sflag:$0x2] =	stream.linear.gather [hbm4b:s10+s3], $0x4000, $0x38;
	[tilespmem:$0x18900] =	vst v63  }
0x2b: {  	s9 =	rddreg [dreg:$0x8]  }
0x2c: {  	[tilespmem:s26], [sflag:$0x3] =	stream.linear.gather [hbm4b:s9+s3], $0x4000, $0x38;
	[tilespmem:$0x18900] =	vst v63  }
0x2d: {  	_ =	swait.ge [sflag:s28], $0x4000  }
0x2e: {  	[sflag:s28] =	ssyncset.done $0x0  }
0x2f: {  	s10 =	simm.s32 $0x40;
	[sflag:s28] =	ssyncadd.s32 $0xFFFFC000  }
0x30: {  	v1 =	vld [tilespmem:s10+$0x30]  }
0x31: {  	v2 =	vld [tilespmem:s10+$0xFFFFFFD0]  }
0x32: {  	v3 =	vld [tilespmem:s10+$0xFFFFFFE0]  }
0x33: {  	v4 =	vld [tilespmem:s10+$0xFFFFFFF0]  }
0x34: {  	v5 =	vld [tilespmem:s10+$0x0]  }
0x35: {  	v7 =	vld [tilespmem:s10+$0x10]  }
0x36: {  	v8 =	vld [tilespmem:s10+$0x20]  }
0x37: {  	v9 =	vld [tilespmem:s10+$0xFFFFFFC0]  }
0x38: {  	v10 =	vld.idx.msk [tilespmem:v1+s29+$0x0], $0xffff  }
0x39: {  	v11 =	vld.idx.msk [tilespmem:v2+s29+$0x0], $0xffff  }
0x3a: {  	v6 =	vld.idx.msk [tilespmem:v3+s29+$0x0], $0xffff  }
0x3b: {  	v4 =	vld.idx.msk [tilespmem:v4+s29+$0x0], $0xffff  }
0x3c: {  	v1 =	vld.idx.msk [tilespmem:v5+s29+$0x0], $0xffff  }
0x3d: {  	s8 =	simm.s32 $0xC040;
	v2 =	vld.idx.msk [tilespmem:v7+s29+$0x0], $0xffff  }
0x3e: {  	v3 =	vld.idx.msk [tilespmem:v8+s29+$0x0], $0xffff;
	[tilespmem:s8+$0x30] =	vst v10  }
0x3f: {  	s9 =	simm.s32 $0x0;
	s10 =	simm.s32 $0xC0;
	v5 =	vld.idx.msk [tilespmem:v9+s29+$0x0], $0xffff;
	[tilespmem:s8+$0xFFFFFFD0] =	vst v11  }
.LBB2_2:
0x40: {  	v7 =	vld [tilespmem:s10+$0x30];
	s9 =	sadd.s32 $0x80, s9;
	[tilespmem:s8+$0xFFFFFFE0] =	vst v6  }
0x41: {  	v6 =	vld [tilespmem:s10+$0xFFFFFFD0];
	p0 =	slt.u32 s9, $0x3F80;
	[tilespmem:s8+$0xFFFFFFF0] =	vst v4  }
0x42: {  	v4 =	vld [tilespmem:s10+$0xFFFFFFE0];
	[tilespmem:s8+$0x0] =	vst v1  }
0x43: {  	v1 =	vld [tilespmem:s10+$0xFFFFFFF0];
	[tilespmem:s8+$0x10] =	vst v2  }
0x44: {  	v2 =	vld [tilespmem:s10+$0x0];
	[tilespmem:s8+$0x20] =	vst v3  }
0x45: {  	v3 =	vld [tilespmem:s10+$0x10];
	[tilespmem:s8+$0xFFFFFFC0] =	vst v5  }
0x46: {  	v5 =	vld [tilespmem:s10+$0x20]  }
0x47: {  	v8 =	vld [tilespmem:s10+$0xFFFFFFC0]  }
0x48: {  	v7 =	vld.idx.msk [tilespmem:v7+s29+$0x0], $0xffff  }
0x49: {  	v9 =	vld.idx.msk [tilespmem:v6+s29+$0x0], $0xffff  }
0x4a: {  	v6 =	vld.idx.msk [tilespmem:v4+s29+$0x0], $0xffff  }
.Ltmp0:
0x4b: {  	v4 =	vld.idx.msk [tilespmem:v1+s29+$0x0], $0xffff;
	(pc) =	sbr.rel @p0 .LBB2_2-.Ltmp0, $4  }
0x4c: {  	v1 =	vld.idx.msk [tilespmem:v2+s29+$0x0], $0xffff  }
0x4d: {  	s8 =	sadd.s32 $0x80, s8;
	v2 =	vld.idx.msk [tilespmem:v3+s29+$0x0], $0xffff  }
0x4e: {  	v3 =	vld.idx.msk [tilespmem:v5+s29+$0x0], $0xffff;
	[tilespmem:s8+$0x30] =	vst v7  }
0x4f: {  	s10 =	sadd.s32 $0x80, s10;
	v5 =	vld.idx.msk [tilespmem:v8+s29+$0x0], $0xffff;
	[tilespmem:s8+$0xFFFFFFD0] =	vst v9  }
0x50: {  	[tilespmem:s8+$0xFFFFFFE0] =	vst v6  }
0x51: {  	[tilespmem:s8+$0xFFFFFFF0] =	vst v4  }
0x52: {  	[tilespmem:s8+$0x0] =	vst v1  }
0x53: {  	[tilespmem:s8+$0x10] =	vst v2  }
0x54: {  	[tilespmem:s8+$0x20] =	vst v3  }
0x55: {  	[tilespmem:s8+$0xFFFFFFC0] =	vst v5  }
0x56: {  	s8 =	rddreg [dreg:$0x9]  }
0x57: {  	[hbm4b:s8+s3] =	stream.linear.scatter [tilespmem:s30], [sflag:$0x4], $0x4000, $0x38;
	[tilespmem:$0x18900] =	vst v63  }
0x58: {  	s9 =	rddreg [dreg:$0xa]  }
0x59: {  	[tilespmem:s3], [sflag:$0x1] =	stream.linear.gather [hbm4b:s9+s3], $0x4000, $0x38;
	[tilespmem:$0x18900] =	vst v63  }
0x5a: {  	_ =	swait.ge [sflag:s31], $0x4000  }
0x5b: {  	[sflag:s31] =	ssyncset.done $0x0  }
0x5c: {  	s10 =	simm.s32 $0x4040;
	[sflag:s31] =	ssyncadd.s32 $0xFFFFC000  }
0x5d: {  	v1 =	vld [tilespmem:s10+$0x30]  }
0x5e: {  	v2 =	vld [tilespmem:s10+$0xFFFFFFD0]  }
0x5f: {  	v3 =	vld [tilespmem:s10+$0xFFFFFFE0]  }
0x60: {  	v4 =	vld [tilespmem:s10+$0xFFFFFFF0]  }
0x61: {  	v5 =	vld [tilespmem:s10+$0x0]  }
0x62: {  	v7 =	vld [tilespmem:s10+$0x10]  }
0x63: {  	v8 =	vld [tilespmem:s10+$0x20]  }
0x64: {  	v9 =	vld [tilespmem:s10+$0xFFFFFFC0]  }
0x65: {  	v10 =	vld.idx.msk [tilespmem:v1+s29+$0x0], $0xffff  }
0x66: {  	v11 =	vld.idx.msk [tilespmem:v2+s29+$0x0], $0xffff  }
0x67: {  	v6 =	vld.idx.msk [tilespmem:v3+s29+$0x0], $0xffff  }
0x68: {  	v4 =	vld.idx.msk [tilespmem:v4+s29+$0x0], $0xffff  }
0x69: {  	v1 =	vld.idx.msk [tilespmem:v5+s29+$0x0], $0xffff  }
0x6a: {  	s8 =	simm.s32 $0x10040;
	v2 =	vld.idx.msk [tilespmem:v7+s29+$0x0], $0xffff  }
0x6b: {  	v3 =	vld.idx.msk [tilespmem:v8+s29+$0x0], $0xffff;
	[tilespmem:s8+$0x30] =	vst v10  }
0x6c: {  	s9 =	simm.s32 $0x0;
	s10 =	simm.s32 $0x40C0;
	v5 =	vld.idx.msk [tilespmem:v9+s29+$0x0], $0xffff;
	[tilespmem:s8+$0xFFFFFFD0] =	vst v11  }
.LBB2_4:
0x6d: {  	v7 =	vld [tilespmem:s10+$0x30];
	s9 =	sadd.s32 $0x80, s9;
	[tilespmem:s8+$0xFFFFFFE0] =	vst v6  }
0x6e: {  	v6 =	vld [tilespmem:s10+$0xFFFFFFD0];
	p0 =	slt.u32 s9, $0x3F80;
	[tilespmem:s8+$0xFFFFFFF0] =	vst v4  }
0x6f: {  	v4 =	vld [tilespmem:s10+$0xFFFFFFE0];
	[tilespmem:s8+$0x0] =	vst v1  }
0x70: {  	v1 =	vld [tilespmem:s10+$0xFFFFFFF0];
	[tilespmem:s8+$0x10] =	vst v2  }
0x71: {  	v2 =	vld [tilespmem:s10+$0x0];
	[tilespmem:s8+$0x20] =	vst v3  }
0x72: {  	v3 =	vld [tilespmem:s10+$0x10];
	[tilespmem:s8+$0xFFFFFFC0] =	vst v5  }
0x73: {  	v5 =	vld [tilespmem:s10+$0x20]  }
0x74: {  	v8 =	vld [tilespmem:s10+$0xFFFFFFC0]  }
0x75: {  	v7 =	vld.idx.msk [tilespmem:v7+s29+$0x0], $0xffff  }
0x76: {  	v9 =	vld.idx.msk [tilespmem:v6+s29+$0x0], $0xffff  }
0x77: {  	v6 =	vld.idx.msk [tilespmem:v4+s29+$0x0], $0xffff  }
.Ltmp1:
0x78: {  	v4 =	vld.idx.msk [tilespmem:v1+s29+$0x0], $0xffff;
	(pc) =	sbr.rel @p0 .LBB2_4-.Ltmp1, $4  }
0x79: {  	v1 =	vld.idx.msk [tilespmem:v2+s29+$0x0], $0xffff  }
0x7a: {  	s8 =	sadd.s32 $0x80, s8;
	v2 =	vld.idx.msk [tilespmem:v3+s29+$0x0], $0xffff  }
0x7b: {  	v3 =	vld.idx.msk [tilespmem:v5+s29+$0x0], $0xffff;
	[tilespmem:s8+$0x30] =	vst v7  }
0x7c: {  	s10 =	sadd.s32 $0x80, s10;
	v5 =	vld.idx.msk [tilespmem:v8+s29+$0x0], $0xffff;
	[tilespmem:s8+$0xFFFFFFD0] =	vst v9  }
0x7d: {  	[tilespmem:s8+$0xFFFFFFE0] =	vst v6  }
0x7e: {  	[tilespmem:s8+$0xFFFFFFF0] =	vst v4  }
0x7f: {  	[tilespmem:s8+$0x0] =	vst v1  }
0x80: {  	[tilespmem:s8+$0x10] =	vst v2  }
0x81: {  	[tilespmem:s8+$0x20] =	vst v3  }
0x82: {  	[tilespmem:s8+$0xFFFFFFC0] =	vst v5  }
0x83: {  	s8 =	rddreg [dreg:$0xb]  }
0x84: {  	[hbm4b:s8+s3] =	stream.linear.scatter [tilespmem:s0], [sflag:$0x5], $0x4000, $0x38;
	[tilespmem:$0x18900] =	vst v63  }
0x85: {  	_ = 	snop  }
0x86: {  	[tilespmem:s25], [sflag:$0x2] =	stream.linear.gather [hbm4b:s11+s3], $0x4000, $0x38;
	[tilespmem:$0x18900] =	vst v63  }
0x87: {  	_ =	swait.ge [sflag:s2], $0x4000  }
0x88: {  	[sflag:s2] =	ssyncset.done $0x0  }
0x89: {  	s10 =	simm.s32 $0x8040;
	[sflag:s2] =	ssyncadd.s32 $0xFFFFC000  }
0x8a: {  	v1 =	vld [tilespmem:s10+$0x30]  }
0x8b: {  	v2 =	vld [tilespmem:s10+$0xFFFFFFD0]  }
0x8c: {  	v3 =	vld [tilespmem:s10+$0xFFFFFFE0]  }
0x8d: {  	v4 =	vld [tilespmem:s10+$0xFFFFFFF0]  }
0x8e: {  	v5 =	vld [tilespmem:s10+$0x0]  }
0x8f: {  	v7 =	vld [tilespmem:s10+$0x10]  }
0x90: {  	v8 =	vld [tilespmem:s10+$0x20]  }
0x91: {  	v9 =	vld [tilespmem:s10+$0xFFFFFFC0]  }
0x92: {  	v10 =	vld.idx.msk [tilespmem:v1+s29+$0x0], $0xffff  }
0x93: {  	v11 =	vld.idx.msk [tilespmem:v2+s29+$0x0], $0xffff  }
0x94: {  	v6 =	vld.idx.msk [tilespmem:v3+s29+$0x0], $0xffff  }
0x95: {  	v4 =	vld.idx.msk [tilespmem:v4+s29+$0x0], $0xffff  }
0x96: {  	v1 =	vld.idx.msk [tilespmem:v5+s29+$0x0], $0xffff  }
0x97: {  	s8 =	simm.s32 $0x14040;
	v2 =	vld.idx.msk [tilespmem:v7+s29+$0x0], $0xffff  }
0x98: {  	v3 =	vld.idx.msk [tilespmem:v8+s29+$0x0], $0xffff;
	[tilespmem:s8+$0x30] =	vst v10  }
0x99: {  	s9 =	simm.s32 $0x0;
	s10 =	simm.s32 $0x80C0;
	v5 =	vld.idx.msk [tilespmem:v9+s29+$0x0], $0xffff;
	[tilespmem:s8+$0xFFFFFFD0] =	vst v11  }
.LBB2_6:
0x9a: {  	v7 =	vld [tilespmem:s10+$0x30];
	s9 =	sadd.s32 $0x80, s9;
	[tilespmem:s8+$0xFFFFFFE0] =	vst v6  }
0x9b: {  	v6 =	vld [tilespmem:s10+$0xFFFFFFD0];
	p0 =	slt.u32 s9, $0x3F80;
	[tilespmem:s8+$0xFFFFFFF0] =	vst v4  }
0x9c: {  	v4 =	vld [tilespmem:s10+$0xFFFFFFE0];
	[tilespmem:s8+$0x0] =	vst v1  }
0x9d: {  	v1 =	vld [tilespmem:s10+$0xFFFFFFF0];
	[tilespmem:s8+$0x10] =	vst v2  }
0x9e: {  	v2 =	vld [tilespmem:s10+$0x0];
	[tilespmem:s8+$0x20] =	vst v3  }
0x9f: {  	v3 =	vld [tilespmem:s10+$0x10];
	[tilespmem:s8+$0xFFFFFFC0] =	vst v5  }
0xa0: {  	v5 =	vld [tilespmem:s10+$0x20]  }
0xa1: {  	v8 =	vld [tilespmem:s10+$0xFFFFFFC0]  }
0xa2: {  	v7 =	vld.idx.msk [tilespmem:v7+s29+$0x0], $0xffff  }
0xa3: {  	v9 =	vld.idx.msk [tilespmem:v6+s29+$0x0], $0xffff  }
0xa4: {  	v6 =	vld.idx.msk [tilespmem:v4+s29+$0x0], $0xffff  }
.Ltmp2:
0xa5: {  	v4 =	vld.idx.msk [tilespmem:v1+s29+$0x0], $0xffff;
	(pc) =	sbr.rel @p0 .LBB2_6-.Ltmp2, $4  }
0xa6: {  	v1 =	vld.idx.msk [tilespmem:v2+s29+$0x0], $0xffff  }
0xa7: {  	s8 =	sadd.s32 $0x80, s8;
	v2 =	vld.idx.msk [tilespmem:v3+s29+$0x0], $0xffff  }
0xa8: {  	v3 =	vld.idx.msk [tilespmem:v5+s29+$0x0], $0xffff;
	[tilespmem:s8+$0x30] =	vst v7  }
0xa9: {  	s10 =	sadd.s32 $0x80, s10;
	v5 =	vld.idx.msk [tilespmem:v8+s29+$0x0], $0xffff;
	[tilespmem:s8+$0xFFFFFFD0] =	vst v9  }
0xaa: {  	[tilespmem:s8+$0xFFFFFFE0] =	vst v6  }
0xab: {  	[tilespmem:s8+$0xFFFFFFF0] =	vst v4  }
0xac: {  	[tilespmem:s8+$0x0] =	vst v1  }
0xad: {  	[tilespmem:s8+$0x10] =	vst v2  }
0xae: {  	[tilespmem:s8+$0x20] =	vst v3  }
0xaf: {  	[tilespmem:s8+$0xFFFFFFC0] =	vst v5  }
0xb0: {  	[hbm4b:s12+s3] =	stream.linear.scatter [tilespmem:s1], [sflag:$0x6], $0x4000, $0x38;
	[tilespmem:$0x18900] =	vst v63  }
0xb1: {  	_ = 	snop  }
0xb2: {  	[tilespmem:s26], [sflag:$0x3] =	stream.linear.gather [hbm4b:s13+s3], $0x4000, $0x38;
	[tilespmem:$0x18900] =	vst v63  }
0xb3: {  	_ =	swait.ge [sflag:s28], $0x4000  }
0xb4: {  	[sflag:s28] =	ssyncset.done $0x0  }
0xb5: {  	[sflag:s28] =	ssyncadd.s32 $0xFFFFC000  }
0xb6: {  	_ =	swait.ge [sflag:s4], $0x4000  }
0xb7: {  	[sflag:s4] =	ssyncset.done $0x0  }
0xb8: {  	s10 =	simm.s32 $0x40;
	[sflag:s4] =	ssyncadd.s32 $0xFFFFC000  }
0xb9: {  	v1 =	vld [tilespmem:s10+$0x30]  }
0xba: {  	v2 =	vld [tilespmem:s10+$0xFFFFFFD0]  }
0xbb: {  	v3 =	vld [tilespmem:s10+$0xFFFFFFE0]  }
0xbc: {  	v4 =	vld [tilespmem:s10+$0xFFFFFFF0]  }
0xbd: {  	v5 =	vld [tilespmem:s10+$0x0]  }
0xbe: {  	v7 =	vld [tilespmem:s10+$0x10]  }
0xbf: {  	v8 =	vld [tilespmem:s10+$0x20]  }
0xc0: {  	v9 =	vld [tilespmem:s10+$0xFFFFFFC0]  }
0xc1: {  	v10 =	vld.idx.msk [tilespmem:v1+s29+$0x0], $0xffff  }
0xc2: {  	v11 =	vld.idx.msk [tilespmem:v2+s29+$0x0], $0xffff  }
0xc3: {  	v6 =	vld.idx.msk [tilespmem:v3+s29+$0x0], $0xffff  }
0xc4: {  	v4 =	vld.idx.msk [tilespmem:v4+s29+$0x0], $0xffff  }
0xc5: {  	v1 =	vld.idx.msk [tilespmem:v5+s29+$0x0], $0xffff  }
0xc6: {  	s8 =	simm.s32 $0xC040;
	v2 =	vld.idx.msk [tilespmem:v7+s29+$0x0], $0xffff  }
0xc7: {  	v3 =	vld.idx.msk [tilespmem:v8+s29+$0x0], $0xffff;
	[tilespmem:s8+$0x30] =	vst v10  }
0xc8: {  	s9 =	simm.s32 $0x0;
	s10 =	simm.s32 $0xC0;
	v5 =	vld.idx.msk [tilespmem:v9+s29+$0x0], $0xffff;
	[tilespmem:s8+$0xFFFFFFD0] =	vst v11  }
.LBB2_8:
0xc9: {  	v7 =	vld [tilespmem:s10+$0x30];
	s9 =	sadd.s32 $0x80, s9;
	[tilespmem:s8+$0xFFFFFFE0] =	vst v6  }
0xca: {  	v6 =	vld [tilespmem:s10+$0xFFFFFFD0];
	p0 =	slt.u32 s9, $0x3F80;
	[tilespmem:s8+$0xFFFFFFF0] =	vst v4  }
0xcb: {  	v4 =	vld [tilespmem:s10+$0xFFFFFFE0];
	[tilespmem:s8+$0x0] =	vst v1  }
0xcc: {  	v1 =	vld [tilespmem:s10+$0xFFFFFFF0];
	[tilespmem:s8+$0x10] =	vst v2  }
0xcd: {  	v2 =	vld [tilespmem:s10+$0x0];
	[tilespmem:s8+$0x20] =	vst v3  }
0xce: {  	v3 =	vld [tilespmem:s10+$0x10];
	[tilespmem:s8+$0xFFFFFFC0] =	vst v5  }
0xcf: {  	v5 =	vld [tilespmem:s10+$0x20]  }
0xd0: {  	v8 =	vld [tilespmem:s10+$0xFFFFFFC0]  }
0xd1: {  	v7 =	vld.idx.msk [tilespmem:v7+s29+$0x0], $0xffff  }
0xd2: {  	v9 =	vld.idx.msk [tilespmem:v6+s29+$0x0], $0xffff  }
0xd3: {  	v6 =	vld.idx.msk [tilespmem:v4+s29+$0x0], $0xffff  }
.Ltmp3:
0xd4: {  	v4 =	vld.idx.msk [tilespmem:v1+s29+$0x0], $0xffff;
	(pc) =	sbr.rel @p0 .LBB2_8-.Ltmp3, $4  }
0xd5: {  	v1 =	vld.idx.msk [tilespmem:v2+s29+$0x0], $0xffff  }
0xd6: {  	s8 =	sadd.s32 $0x80, s8;
	v2 =	vld.idx.msk [tilespmem:v3+s29+$0x0], $0xffff  }
0xd7: {  	v3 =	vld.idx.msk [tilespmem:v5+s29+$0x0], $0xffff;
	[tilespmem:s8+$0x30] =	vst v7  }
0xd8: {  	s10 =	sadd.s32 $0x80, s10;
	v5 =	vld.idx.msk [tilespmem:v8+s29+$0x0], $0xffff;
	[tilespmem:s8+$0xFFFFFFD0] =	vst v9  }
0xd9: {  	[tilespmem:s8+$0xFFFFFFE0] =	vst v6  }
0xda: {  	[tilespmem:s8+$0xFFFFFFF0] =	vst v4  }
0xdb: {  	[tilespmem:s8+$0x0] =	vst v1  }
0xdc: {  	[tilespmem:s8+$0x10] =	vst v2  }
0xdd: {  	[tilespmem:s8+$0x20] =	vst v3  }
0xde: {  	[tilespmem:s8+$0xFFFFFFC0] =	vst v5  }
0xdf: {  	[hbm4b:s14+s3] =	stream.linear.scatter [tilespmem:s30], [sflag:$0x4], $0x4000, $0x38;
	[tilespmem:$0x18900] =	vst v63  }
0xe0: {  	_ = 	snop  }
0xe1: {  	[tilespmem:s3], [sflag:$0x1] =	stream.linear.gather [hbm4b:s15+s3], $0x4000, $0x38;
	[tilespmem:$0x18900] =	vst v63  }
0xe2: {  	_ =	swait.ge [sflag:s31], $0x4000  }
0xe3: {  	[sflag:s31] =	ssyncset.done $0x0  }
0xe4: {  	[sflag:s31] =	ssyncadd.s32 $0xFFFFC000  }
0xe5: {  	_ =	swait.ge [sflag:s5], $0x4000  }
0xe6: {  	[sflag:s5] =	ssyncset.done $0x0  }
0xe7: {  	s10 =	simm.s32 $0x4040;
	[sflag:s5] =	ssyncadd.s32 $0xFFFFC000  }
0xe8: {  	v1 =	vld [tilespmem:s10+$0x30]  }
0xe9: {  	v2 =	vld [tilespmem:s10+$0xFFFFFFD0]  }
0xea: {  	v3 =	vld [tilespmem:s10+$0xFFFFFFE0]  }
0xeb: {  	v4 =	vld [tilespmem:s10+$0xFFFFFFF0]  }
0xec: {  	v5 =	vld [tilespmem:s10+$0x0]  }
0xed: {  	v7 =	vld [tilespmem:s10+$0x10]  }
0xee: {  	v8 =	vld [tilespmem:s10+$0x20]  }
0xef: {  	v9 =	vld [tilespmem:s10+$0xFFFFFFC0]  }
0xf0: {  	v10 =	vld.idx.msk [tilespmem:v1+s29+$0x0], $0xffff  }
0xf1: {  	v11 =	vld.idx.msk [tilespmem:v2+s29+$0x0], $0xffff  }
0xf2: {  	v6 =	vld.idx.msk [tilespmem:v3+s29+$0x0], $0xffff  }
0xf3: {  	v4 =	vld.idx.msk [tilespmem:v4+s29+$0x0], $0xffff  }
0xf4: {  	v1 =	vld.idx.msk [tilespmem:v5+s29+$0x0], $0xffff  }
0xf5: {  	s8 =	simm.s32 $0x10040;
	v2 =	vld.idx.msk [tilespmem:v7+s29+$0x0], $0xffff  }
0xf6: {  	v3 =	vld.idx.msk [tilespmem:v8+s29+$0x0], $0xffff;
	[tilespmem:s8+$0x30] =	vst v10  }
0xf7: {  	s9 =	simm.s32 $0x0;
	s10 =	simm.s32 $0x40C0;
	v5 =	vld.idx.msk [tilespmem:v9+s29+$0x0], $0xffff;
	[tilespmem:s8+$0xFFFFFFD0] =	vst v11  }
.LBB2_10:
0xf8: {  	v7 =	vld [tilespmem:s10+$0x30];
	s9 =	sadd.s32 $0x80, s9;
	[tilespmem:s8+$0xFFFFFFE0] =	vst v6  }
0xf9: {  	v6 =	vld [tilespmem:s10+$0xFFFFFFD0];
	p0 =	slt.u32 s9, $0x3F80;
	[tilespmem:s8+$0xFFFFFFF0] =	vst v4  }
0xfa: {  	v4 =	vld [tilespmem:s10+$0xFFFFFFE0];
	[tilespmem:s8+$0x0] =	vst v1  }
0xfb: {  	v1 =	vld [tilespmem:s10+$0xFFFFFFF0];
	[tilespmem:s8+$0x10] =	vst v2  }
0xfc: {  	v2 =	vld [tilespmem:s10+$0x0];
	[tilespmem:s8+$0x20] =	vst v3  }
0xfd: {  	v3 =	vld [tilespmem:s10+$0x10];
	[tilespmem:s8+$0xFFFFFFC0] =	vst v5  }
0xfe: {  	v5 =	vld [tilespmem:s10+$0x20]  }
0xff: {  	v8 =	vld [tilespmem:s10+$0xFFFFFFC0]  }
0x100: {  	v7 =	vld.idx.msk [tilespmem:v7+s29+$0x0], $0xffff  }
0x101: {  	v9 =	vld.idx.msk [tilespmem:v6+s29+$0x0], $0xffff  }
0x102: {  	v6 =	vld.idx.msk [tilespmem:v4+s29+$0x0], $0xffff  }
.Ltmp4:
0x103: {  	v4 =	vld.idx.msk [tilespmem:v1+s29+$0x0], $0xffff;
	(pc) =	sbr.rel @p0 .LBB2_10-.Ltmp4, $4  }
0x104: {  	v1 =	vld.idx.msk [tilespmem:v2+s29+$0x0], $0xffff  }
0x105: {  	s8 =	sadd.s32 $0x80, s8;
	v2 =	vld.idx.msk [tilespmem:v3+s29+$0x0], $0xffff  }
0x106: {  	v3 =	vld.idx.msk [tilespmem:v5+s29+$0x0], $0xffff;
	[tilespmem:s8+$0x30] =	vst v7  }
0x107: {  	s10 =	sadd.s32 $0x80, s10;
	v5 =	vld.idx.msk [tilespmem:v8+s29+$0x0], $0xffff;
	[tilespmem:s8+$0xFFFFFFD0] =	vst v9  }
0x108: {  	[tilespmem:s8+$0xFFFFFFE0] =	vst v6  }
0x109: {  	[tilespmem:s8+$0xFFFFFFF0] =	vst v4  }
0x10a: {  	[tilespmem:s8+$0x0] =	vst v1  }
0x10b: {  	[tilespmem:s8+$0x10] =	vst v2  }
0x10c: {  	[tilespmem:s8+$0x20] =	vst v3  }
0x10d: {  	[tilespmem:s8+$0xFFFFFFC0] =	vst v5  }
0x10e: {  	[hbm4b:s16+s3] =	stream.linear.scatter [tilespmem:s0], [sflag:$0x5], $0x4000, $0x38;
	[tilespmem:$0x18900] =	vst v63  }
0x10f: {  	_ = 	snop  }
0x110: {  	[tilespmem:s25], [sflag:$0x2] =	stream.linear.gather [hbm4b:s17+s3], $0x4000, $0x38;
	[tilespmem:$0x18900] =	vst v63  }
0x111: {  	_ =	swait.ge [sflag:s2], $0x4000  }
0x112: {  	[sflag:s2] =	ssyncset.done $0x0  }
0x113: {  	[sflag:s2] =	ssyncadd.s32 $0xFFFFC000  }
0x114: {  	_ =	swait.ge [sflag:s6], $0x4000  }
0x115: {  	[sflag:s6] =	ssyncset.done $0x0  }
0x116: {  	s10 =	simm.s32 $0x8040;
	[sflag:s6] =	ssyncadd.s32 $0xFFFFC000  }
0x117: {  	v1 =	vld [tilespmem:s10+$0x30]  }
0x118: {  	v2 =	vld [tilespmem:s10+$0xFFFFFFD0]  }
0x119: {  	v3 =	vld [tilespmem:s10+$0xFFFFFFE0]  }
0x11a: {  	v4 =	vld [tilespmem:s10+$0xFFFFFFF0]  }
0x11b: {  	v5 =	vld [tilespmem:s10+$0x0]  }
0x11c: {  	v7 =	vld [tilespmem:s10+$0x10]  }
0x11d: {  	v8 =	vld [tilespmem:s10+$0x20]  }
0x11e: {  	v9 =	vld [tilespmem:s10+$0xFFFFFFC0]  }
0x11f: {  	v10 =	vld.idx.msk [tilespmem:v1+s29+$0x0], $0xffff  }
0x120: {  	v11 =	vld.idx.msk [tilespmem:v2+s29+$0x0], $0xffff  }
0x121: {  	v6 =	vld.idx.msk [tilespmem:v3+s29+$0x0], $0xffff  }
0x122: {  	v4 =	vld.idx.msk [tilespmem:v4+s29+$0x0], $0xffff  }
0x123: {  	v1 =	vld.idx.msk [tilespmem:v5+s29+$0x0], $0xffff  }
0x124: {  	s8 =	simm.s32 $0x14040;
	v2 =	vld.idx.msk [tilespmem:v7+s29+$0x0], $0xffff  }
0x125: {  	v3 =	vld.idx.msk [tilespmem:v8+s29+$0x0], $0xffff;
	[tilespmem:s8+$0x30] =	vst v10  }
0x126: {  	s9 =	simm.s32 $0x0;
	s10 =	simm.s32 $0x80C0;
	v5 =	vld.idx.msk [tilespmem:v9+s29+$0x0], $0xffff;
	[tilespmem:s8+$0xFFFFFFD0] =	vst v11  }
.LBB2_12:
0x127: {  	v7 =	vld [tilespmem:s10+$0x30];
	s9 =	sadd.s32 $0x80, s9;
	[tilespmem:s8+$0xFFFFFFE0] =	vst v6  }
0x128: {  	v6 =	vld [tilespmem:s10+$0xFFFFFFD0];
	p0 =	slt.u32 s9, $0x3F80;
	[tilespmem:s8+$0xFFFFFFF0] =	vst v4  }
0x129: {  	v4 =	vld [tilespmem:s10+$0xFFFFFFE0];
	[tilespmem:s8+$0x0] =	vst v1  }
0x12a: {  	v1 =	vld [tilespmem:s10+$0xFFFFFFF0];
	[tilespmem:s8+$0x10] =	vst v2  }
0x12b: {  	v2 =	vld [tilespmem:s10+$0x0];
	[tilespmem:s8+$0x20] =	vst v3  }
0x12c: {  	v3 =	vld [tilespmem:s10+$0x10];
	[tilespmem:s8+$0xFFFFFFC0] =	vst v5  }
0x12d: {  	v5 =	vld [tilespmem:s10+$0x20]  }
0x12e: {  	v8 =	vld [tilespmem:s10+$0xFFFFFFC0]  }
0x12f: {  	v7 =	vld.idx.msk [tilespmem:v7+s29+$0x0], $0xffff  }
0x130: {  	v9 =	vld.idx.msk [tilespmem:v6+s29+$0x0], $0xffff  }
0x131: {  	v6 =	vld.idx.msk [tilespmem:v4+s29+$0x0], $0xffff  }
.Ltmp5:
0x132: {  	v4 =	vld.idx.msk [tilespmem:v1+s29+$0x0], $0xffff;
	(pc) =	sbr.rel @p0 .LBB2_12-.Ltmp5, $4  }
0x133: {  	v1 =	vld.idx.msk [tilespmem:v2+s29+$0x0], $0xffff  }
0x134: {  	s8 =	sadd.s32 $0x80, s8;
	v2 =	vld.idx.msk [tilespmem:v3+s29+$0x0], $0xffff  }
0x135: {  	v3 =	vld.idx.msk [tilespmem:v5+s29+$0x0], $0xffff;
	[tilespmem:s8+$0x30] =	vst v7  }
0x136: {  	s10 =	sadd.s32 $0x80, s10;
	v5 =	vld.idx.msk [tilespmem:v8+s29+$0x0], $0xffff;
	[tilespmem:s8+$0xFFFFFFD0] =	vst v9  }
0x137: {  	[tilespmem:s8+$0xFFFFFFE0] =	vst v6  }
0x138: {  	[tilespmem:s8+$0xFFFFFFF0] =	vst v4  }
0x139: {  	[tilespmem:s8+$0x0] =	vst v1  }
0x13a: {  	[tilespmem:s8+$0x10] =	vst v2  }
0x13b: {  	[tilespmem:s8+$0x20] =	vst v3  }
0x13c: {  	[tilespmem:s8+$0xFFFFFFC0] =	vst v5  }
0x13d: {  	[hbm4b:s18+s3] =	stream.linear.scatter [tilespmem:s1], [sflag:$0x6], $0x4000, $0x38;
	[tilespmem:$0x18900] =	vst v63  }
0x13e: {  	_ =	swait.ge [sflag:s28], $0x4000  }
0x13f: {  	[sflag:s28] =	ssyncset.done $0x0  }
0x140: {  	[sflag:s28] =	ssyncadd.s32 $0xFFFFC000  }
0x141: {  	_ =	swait.ge [sflag:s4], $0x4000  }
0x142: {  	[sflag:s4] =	ssyncset.done $0x0  }
0x143: {  	s10 =	simm.s32 $0x40;
	[sflag:s4] =	ssyncadd.s32 $0xFFFFC000  }
0x144: {  	v1 =	vld [tilespmem:s10+$0x30]  }
0x145: {  	v2 =	vld [tilespmem:s10+$0xFFFFFFD0]  }
0x146: {  	v3 =	vld [tilespmem:s10+$0xFFFFFFE0]  }
0x147: {  	v4 =	vld [tilespmem:s10+$0xFFFFFFF0]  }
0x148: {  	v5 =	vld [tilespmem:s10+$0x0]  }
0x149: {  	v7 =	vld [tilespmem:s10+$0x10]  }
0x14a: {  	v8 =	vld [tilespmem:s10+$0x20]  }
0x14b: {  	v9 =	vld [tilespmem:s10+$0xFFFFFFC0]  }
0x14c: {  	v10 =	vld.idx.msk [tilespmem:v1+s29+$0x0], $0xffff  }
0x14d: {  	v11 =	vld.idx.msk [tilespmem:v2+s29+$0x0], $0xffff  }
0x14e: {  	v6 =	vld.idx.msk [tilespmem:v3+s29+$0x0], $0xffff  }
0x14f: {  	v4 =	vld.idx.msk [tilespmem:v4+s29+$0x0], $0xffff  }
0x150: {  	v1 =	vld.idx.msk [tilespmem:v5+s29+$0x0], $0xffff  }
0x151: {  	s8 =	simm.s32 $0xC040;
	v2 =	vld.idx.msk [tilespmem:v7+s29+$0x0], $0xffff  }
0x152: {  	v3 =	vld.idx.msk [tilespmem:v8+s29+$0x0], $0xffff;
	[tilespmem:s8+$0x30] =	vst v10  }
0x153: {  	s9 =	simm.s32 $0x0;
	s10 =	simm.s32 $0xC0;
	v5 =	vld.idx.msk [tilespmem:v9+s29+$0x0], $0xffff;
	[tilespmem:s8+$0xFFFFFFD0] =	vst v11  }
.LBB2_14:
0x154: {  	v7 =	vld [tilespmem:s10+$0x30];
	s9 =	sadd.s32 $0x80, s9;
	[tilespmem:s8+$0xFFFFFFE0] =	vst v6  }
0x155: {  	v6 =	vld [tilespmem:s10+$0xFFFFFFD0];
	p0 =	slt.u32 s9, $0x3F80;
	[tilespmem:s8+$0xFFFFFFF0] =	vst v4  }
0x156: {  	v4 =	vld [tilespmem:s10+$0xFFFFFFE0];
	[tilespmem:s8+$0x0] =	vst v1  }
0x157: {  	v1 =	vld [tilespmem:s10+$0xFFFFFFF0];
	[tilespmem:s8+$0x10] =	vst v2  }
0x158: {  	v2 =	vld [tilespmem:s10+$0x0];
	[tilespmem:s8+$0x20] =	vst v3  }
0x159: {  	v3 =	vld [tilespmem:s10+$0x10];
	[tilespmem:s8+$0xFFFFFFC0] =	vst v5  }
0x15a: {  	v5 =	vld [tilespmem:s10+$0x20]  }
0x15b: {  	v8 =	vld [tilespmem:s10+$0xFFFFFFC0]  }
0x15c: {  	v7 =	vld.idx.msk [tilespmem:v7+s29+$0x0], $0xffff  }
0x15d: {  	v9 =	vld.idx.msk [tilespmem:v6+s29+$0x0], $0xffff  }
0x15e: {  	v6 =	vld.idx.msk [tilespmem:v4+s29+$0x0], $0xffff  }
.Ltmp6:
0x15f: {  	v4 =	vld.idx.msk [tilespmem:v1+s29+$0x0], $0xffff;
	(pc) =	sbr.rel @p0 .LBB2_14-.Ltmp6, $4  }
0x160: {  	v1 =	vld.idx.msk [tilespmem:v2+s29+$0x0], $0xffff  }
0x161: {  	s8 =	sadd.s32 $0x80, s8;
	v2 =	vld.idx.msk [tilespmem:v3+s29+$0x0], $0xffff  }
0x162: {  	v3 =	vld.idx.msk [tilespmem:v5+s29+$0x0], $0xffff;
	[tilespmem:s8+$0x30] =	vst v7  }
0x163: {  	s10 =	sadd.s32 $0x80, s10;
	v5 =	vld.idx.msk [tilespmem:v8+s29+$0x0], $0xffff;
	[tilespmem:s8+$0xFFFFFFD0] =	vst v9  }
0x164: {  	[tilespmem:s8+$0xFFFFFFE0] =	vst v6  }
0x165: {  	[tilespmem:s8+$0xFFFFFFF0] =	vst v4  }
0x166: {  	[tilespmem:s8+$0x0] =	vst v1  }
0x167: {  	[tilespmem:s8+$0x10] =	vst v2  }
0x168: {  	[tilespmem:s8+$0x20] =	vst v3  }
0x169: {  	[tilespmem:s8+$0xFFFFFFC0] =	vst v5  }
0x16a: {  	[hbm4b:s19+s3] =	stream.linear.scatter [tilespmem:s30], [sflag:$0x4], $0x4000, $0x38;
	[tilespmem:$0x18900] =	vst v63  }
0x16b: {  	_ =	swait.ge [sflag:s31], $0x4000  }
0x16c: {  	[sflag:s31] =	ssyncset.done $0x0  }
0x16d: {  	[sflag:s31] =	ssyncadd.s32 $0xFFFFC000  }
0x16e: {  	_ =	swait.ge [sflag:s5], $0x4000  }
0x16f: {  	[sflag:s5] =	ssyncset.done $0x0  }
0x170: {  	s10 =	simm.s32 $0x4040;
	[sflag:s5] =	ssyncadd.s32 $0xFFFFC000  }
0x171: {  	v1 =	vld [tilespmem:s10+$0x30]  }
0x172: {  	v2 =	vld [tilespmem:s10+$0xFFFFFFD0]  }
0x173: {  	v3 =	vld [tilespmem:s10+$0xFFFFFFE0]  }
0x174: {  	v4 =	vld [tilespmem:s10+$0xFFFFFFF0]  }
0x175: {  	v5 =	vld [tilespmem:s10+$0x0]  }
0x176: {  	v7 =	vld [tilespmem:s10+$0x10]  }
0x177: {  	v8 =	vld [tilespmem:s10+$0x20]  }
0x178: {  	v9 =	vld [tilespmem:s10+$0xFFFFFFC0]  }
0x179: {  	v10 =	vld.idx.msk [tilespmem:v1+s29+$0x0], $0xffff  }
0x17a: {  	v11 =	vld.idx.msk [tilespmem:v2+s29+$0x0], $0xffff  }
0x17b: {  	v6 =	vld.idx.msk [tilespmem:v3+s29+$0x0], $0xffff  }
0x17c: {  	v4 =	vld.idx.msk [tilespmem:v4+s29+$0x0], $0xffff  }
0x17d: {  	v1 =	vld.idx.msk [tilespmem:v5+s29+$0x0], $0xffff  }
0x17e: {  	s8 =	simm.s32 $0x10040;
	v2 =	vld.idx.msk [tilespmem:v7+s29+$0x0], $0xffff  }
0x17f: {  	v3 =	vld.idx.msk [tilespmem:v8+s29+$0x0], $0xffff;
	[tilespmem:s8+$0x30] =	vst v10  }
0x180: {  	s9 =	simm.s32 $0x0;
	s10 =	simm.s32 $0x40C0;
	v5 =	vld.idx.msk [tilespmem:v9+s29+$0x0], $0xffff;
	[tilespmem:s8+$0xFFFFFFD0] =	vst v11  }
.LBB2_16:
0x181: {  	v7 =	vld [tilespmem:s10+$0x30];
	s9 =	sadd.s32 $0x80, s9;
	[tilespmem:s8+$0xFFFFFFE0] =	vst v6  }
0x182: {  	v6 =	vld [tilespmem:s10+$0xFFFFFFD0];
	p0 =	slt.u32 s9, $0x3F80;
	[tilespmem:s8+$0xFFFFFFF0] =	vst v4  }
0x183: {  	v4 =	vld [tilespmem:s10+$0xFFFFFFE0];
	[tilespmem:s8+$0x0] =	vst v1  }
0x184: {  	v1 =	vld [tilespmem:s10+$0xFFFFFFF0];
	[tilespmem:s8+$0x10] =	vst v2  }
0x185: {  	v2 =	vld [tilespmem:s10+$0x0];
	[tilespmem:s8+$0x20] =	vst v3  }
0x186: {  	v3 =	vld [tilespmem:s10+$0x10];
	[tilespmem:s8+$0xFFFFFFC0] =	vst v5  }
0x187: {  	v5 =	vld [tilespmem:s10+$0x20]  }
0x188: {  	v8 =	vld [tilespmem:s10+$0xFFFFFFC0]  }
0x189: {  	v7 =	vld.idx.msk [tilespmem:v7+s29+$0x0], $0xffff  }
0x18a: {  	v9 =	vld.idx.msk [tilespmem:v6+s29+$0x0], $0xffff  }
0x18b: {  	v6 =	vld.idx.msk [tilespmem:v4+s29+$0x0], $0xffff  }
.Ltmp7:
0x18c: {  	v4 =	vld.idx.msk [tilespmem:v1+s29+$0x0], $0xffff;
	(pc) =	sbr.rel @p0 .LBB2_16-.Ltmp7, $4  }
0x18d: {  	v1 =	vld.idx.msk [tilespmem:v2+s29+$0x0], $0xffff  }
0x18e: {  	s8 =	sadd.s32 $0x80, s8;
	v2 =	vld.idx.msk [tilespmem:v3+s29+$0x0], $0xffff  }
0x18f: {  	v3 =	vld.idx.msk [tilespmem:v5+s29+$0x0], $0xffff;
	[tilespmem:s8+$0x30] =	vst v7  }
0x190: {  	s10 =	sadd.s32 $0x80, s10;
	v5 =	vld.idx.msk [tilespmem:v8+s29+$0x0], $0xffff;
	[tilespmem:s8+$0xFFFFFFD0] =	vst v9  }
0x191: {  	[tilespmem:s8+$0xFFFFFFE0] =	vst v6  }
0x192: {  	[tilespmem:s8+$0xFFFFFFF0] =	vst v4  }
0x193: {  	[tilespmem:s8+$0x0] =	vst v1  }
0x194: {  	[tilespmem:s8+$0x10] =	vst v2  }
0x195: {  	[tilespmem:s8+$0x20] =	vst v3  }
0x196: {  	[tilespmem:s8+$0xFFFFFFC0] =	vst v5  }
0x197: {  	[hbm4b:s20+s3] =	stream.linear.scatter [tilespmem:s0], [sflag:$0x5], $0x4000, $0x38;
	[tilespmem:$0x18900] =	vst v63  }
0x198: {  	_ =	swait.ge [sflag:s4], $0x4000  }
0x199: {  	[sflag:s4] =	ssyncset.done $0x0  }
0x19a: {  	s7 =	sadd.s32 $0x1, s7;
	[sflag:s4] =	ssyncadd.s32 $0xFFFFC000  }
0x19b: {  	p0 =	sne.s32 s7, s21;
	_ =	swait.ge [sflag:s5], $0x4000  }
.Ltmp8:
0x19c: {  	[sflag:s5] =	ssyncset.done $0x0;
	(pc) =	sbr.rel @p0 .LBB2_1-.Ltmp8, $4  }
0x19d: {  	[sflag:s5] =	ssyncadd.s32 $0xFFFFC000  }
0x19e: {  	_ =	swait.ge [sflag:s6], $0x4000  }
0x19f: {  	[sflag:s6] =	ssyncset.done $0x0  }
0x1a0: {  	[sflag:s6] =	ssyncadd.s32 $0xFFFFC000  }
0x1a1: {  	_ =	sfence.sel $0x180000  }
0x1a2: {  	[bflag:$0x0] =	sbarrier.arrive $0xFFFF  }
0x1a3: {  	_ =	strace $0x90000047  }
0x1a4: {  	s0 =	stileid.u32;
	[bflag:$0x2] =	sbarrier.arrive $0xFFFF  }
0x1a5: {  	p0 =	sne.s32 s0, $0x0;
	s0 =	rddreg [dreg:$0x4]  }
0x1a6: {  	s0 =	sadd.s32 @!p0 $0x100000, s0  }
0x1a7: {  	[sflag:s0] =	ssyncadd.tile.s32 @!p0 $0x1;
	_ =	shalt  }
.Lfunc_end2:
_tile_overlayer_lowered:
.L_overlay_start_2:
0x1a8: {  	(tag) =	ssettag $0x2  }
0x1a9: {  	s0 =	rddreg [dreg:$0x0];
	s2 =	stileid.u32  }
0x1aa: {  	s1 =	rddreg [dreg:$0x1];
	p0 =	sne.s32 s2, $0x0  }
0x1ab: {  	s3 =	rddreg [dreg:$0x2];
	[bflag:$0x3] =	sbarrier.arrive $0xFFFF;
	s2 =	simm.s32 @!p0 $0x1C07  }
0x1ac: {  	[timem:s3], [sflag:s2] =	dma.local @!p0 [hbm:s0], s1  }
0x1ad: {  	s0 =	simm.s32 @!p0 $0x7  }
0x1ae: {  	_ =	swait.ge @!p0 [sflag:s0], s1  }
0x1af: {  	s1 =	ssub.s32 @!p0 $0x0, s1;
	[sflag:s0] =	ssyncset.done @!p0 $0x0  }
0x1b0: {  	[sflag:s0] =	ssyncadd.s32 @!p0 s1  }
0x1b1: {  	[bflag:$0x3] =	sbarrier.arrive $0xFFFF  }
0x1b2: {  	_ =	shalt  }

</sc_bundles>
